<compile_context>
chip_gen: v7x
topology: tpu7x:2x2x1
jax: 0.10.2.dev20260603
libtpu: 0.0.44.dev20260713+nightly
codegen_flags: <defaults>
</compile_context>

<pallas_src>
import functools

import jax
import jax.numpy as jnp
from jax import lax
from jax.experimental import pallas as pl
from jax.experimental.pallas import tpu as pltpu
from jax.experimental.pallas import tpu_sc as plsc

B = 4096
F = 26
K = 16
NC = 2
NS = 16
NW = NC * NS
RPW = B // NW
E = RPW * F
CHUNK = 128
NCHUNK = E // CHUNK


def _fm_body(idx_hbm, vals_hbm, w_hbm, v_hbm, b_hbm, out_hbm,
             idx_v, vals_v, vrows_v, wflat_v, b_v, out_v, sem_v, sem_w):
    wid = lax.axis_index("s") * NC + lax.axis_index("c")
    base = wid * RPW

    pltpu.sync_copy(idx_hbm.at[wid], idx_v)
    pltpu.sync_copy(vals_hbm.at[wid], vals_v)
    pltpu.sync_copy(b_hbm, b_v)

    def chunk_body(c, carry):
        cv = pltpu.make_async_copy(
            v_hbm.at[idx_v.at[c]], vrows_v.at[pl.ds(c * CHUNK, CHUNK)], sem_v
        )
        cw = pltpu.make_async_copy(
            w_hbm.at[idx_v.at[c]], wflat_v.at[pl.ds(c * CHUNK, CHUNK)], sem_w
        )
        cv.start()
        cw.start()
        cv.wait()
        cw.wait()
        return carry

    lax.fori_loop(0, NCHUNK, chunk_body, 0)

    bias_vec = b_v[...]
    lanes = lax.iota(jnp.int32, 16)
    zeros16 = lanes * 0
    himask = jnp.where(lanes >= 6, 1.0, 0.0).astype(jnp.float32)

    def group_body(g, carry):
        def row_body(r, acc):
            ibase = (g * 16 + r) * F
            vlo = plsc.load_gather(vals_v, [ibase + lanes])
            vhi = plsc.load_gather(vals_v, [ibase + 10 + lanes])
            wlo = plsc.load_gather(wflat_v, [ibase + lanes])
            whi = plsc.load_gather(wflat_v, [ibase + 10 + lanes])
            xw = jnp.sum(vlo * wlo + himask * (vhi * whi))
            s = jnp.zeros((16,), jnp.float32)
            q = jnp.zeros((16,), jnp.float32)
            for f in range(F):
                val = (vlo[f] if f < 16 else vhi[f - 10])
                vrow = vrows_v[ibase + f]
                t = val * vrow
                s = s + t
                q = q + t * t
            p = 0.5 * jnp.sum(s * s - q)
            logit = xw + p
            return jnp.where(lanes == r, logit, acc)

        acc = lax.fori_loop(0, 16, row_body, jnp.zeros((16,), jnp.float32))
        out_v[pl.ds(g * 16, 16)] = 1.0 / (1.0 + jnp.exp(-(acc + bias_vec)))
        return carry

    lax.fori_loop(0, RPW // 16, group_body, 0)
    pltpu.sync_copy(out_v, out_hbm.at[pl.ds(base, RPW)])


@functools.partial(
    pl.kernel,
    mesh=plsc.VectorSubcoreMesh(core_axis_name="c", subcore_axis_name="s"),
    out_type=jax.ShapeDtypeStruct((B,), jnp.float32),
    scratch_types=[
        pltpu.VMEM((NCHUNK, CHUNK), jnp.int32),
        pltpu.VMEM((E,), jnp.float32),
        pltpu.VMEM((E, K), jnp.float32),
        pltpu.VMEM((E,), jnp.float32),
        pltpu.VMEM((16,), jnp.float32),
        pltpu.VMEM((RPW,), jnp.float32),
        pltpu.SemaphoreType.DMA,
        pltpu.SemaphoreType.DMA,
    ],
    compiler_params=pltpu.CompilerParams(
        needs_layout_passes=False, use_tc_tiling_on_sc=False
    ),
)
def _fm_call(*args):
    _fm_body(*args)


def kernel(indices, values, w, v, b):
    idx_r = indices.reshape(NW, NCHUNK, CHUNK)
    vals_r = values.reshape(NW, E)
    b_r = jnp.broadcast_to(b.reshape(()), (16,))
    return _fm_call(idx_r, vals_r, w.reshape(-1), v, b_r)

# --- scband reference (transcript-rebuilt; emitter-appended) ---
"""Pipeline reference for scband-fm-3384434229552 (READ-ONLY COPY).

The authoritative reference and input builder live on the scoring server;
editing this copy changes nothing except your own understanding.
"""

import jax, jax.numpy as jnp
import numpy as np

INPUT_DIM = 1000000
OUTPUT_DIM = 1
FACTOR_ORDER = 16
BATCH = 4096
N_FIELDS = 26


def setup_inputs(seed: int = 0) -> dict:
    key = jax.random.key(seed)
    k_idx, k_val, k_w, k_v = jax.random.split(key, 4)
    indices = jax.random.randint(k_idx, (BATCH, N_FIELDS), 0, INPUT_DIM, dtype=jnp.int64 if jax.config.jax_enable_x64 else jnp.int32).astype(jnp.int32)
    values = jax.random.uniform(k_val, (BATCH, N_FIELDS), dtype=jnp.float32)
    # xavier init for w and v
    w_std = float(np.sqrt(2.0 / (INPUT_DIM + OUTPUT_DIM)))
    v_std = float(np.sqrt(2.0 / (INPUT_DIM + FACTOR_ORDER)))
    w = jax.random.normal(k_w, (INPUT_DIM, OUTPUT_DIM), dtype=jnp.float32) * w_std
    v = jax.random.normal(k_v, (INPUT_DIM, FACTOR_ORDER), dtype=jnp.float32) * v_std
    b = jnp.zeros((OUTPUT_DIM,), dtype=jnp.float32)
    return {"indices": indices, "values": values, "w": w, "v": v, "b": b}


def reference(indices, values, w, v, b):
    # Sparse X of shape [B, INPUT_DIM] represented as (indices, values) per row.
    # xw = X @ w  (gather rows of w and weighted-sum over fields)
    w_g = jnp.take(w, indices, axis=0)                      # [B, F, 1]
    xw = jnp.sum(values[..., None] * w_g, axis=1)           # [B, 1]
    # xv = (X @ v)^2
    v_g = jnp.take(v, indices, axis=0)                      # [B, F, K]
    xv = jnp.square(jnp.sum(values[..., None] * v_g, axis=1))  # [B, K]
    # X_square @ v^2
    x2v2 = jnp.sum(jnp.square(values)[..., None] * jnp.square(v_g), axis=1)  # [B, K]
    p = 0.5 * jnp.reshape(jnp.sum(xv - x2v2, axis=1), (-1, OUTPUT_DIM))      # [B, 1]
    logits = jnp.reshape(xw + b + p, (-1,))                 # [B]
    y_prob = jax.nn.sigmoid(logits)
    return y_prob

if __name__ == "__main__":
    import jax
    _d = setup_inputs()
    print(jax.jit(kernel)(*tuple(_d.values())))

</pallas_src>

<mosaic_0001>
#map = affine_map<(d0, d1) -> (0, 0, 0)>
#map1 = affine_map<(d0, d1) -> (0, 0)>
#map2 = affine_map<(d0, d1) -> (0)>
module attributes {stable_mosaic.version = 14 : i64} {
  func.func @_fm_call(%arg0: i32, %arg1: i32, %arg2: memref<32x26x128xi32, #tpu.memory_space<hbm>>, %arg3: memref<32x3328xf32, #tpu.memory_space<hbm>>, %arg4: memref<1000000xf32, #tpu.memory_space<hbm>>, %arg5: memref<1000000x16xf32, #tpu.memory_space<hbm>>, %arg6: memref<16xf32, #tpu.memory_space<hbm>>, %arg7: memref<4096xf32, #tpu.memory_space<hbm>>, %arg8: memref<26x128xi32, #tpu.memory_space<vmem>>, %arg9: memref<3328xf32, #tpu.memory_space<vmem>>, %arg10: memref<3328x16xf32, #tpu.memory_space<vmem>>, %arg11: memref<3328xf32, #tpu.memory_space<vmem>>, %arg12: memref<16xf32, #tpu.memory_space<vmem>>, %arg13: memref<128xf32, #tpu.memory_space<vmem>>, %arg14: memref<!tpu.dma_semaphore, #tpu.memory_space<semaphore_mem>>, %arg15: memref<!tpu.dma_semaphore, #tpu.memory_space<semaphore_mem>>) attributes {dimension_semantics = [#tpu.dimension_semantics<core_parallel>, #tpu.dimension_semantics<subcore_parallel>], iteration_bounds = array<i64: 2, 16>, scalar_prefetch = 0 : i64, scratch_operands = 8 : i64, tpu.core_type = #tpu.core_type<sc_vector_subcore>, window_params = [{transform_indices = #map}, {transform_indices = #map1}, {transform_indices = #map2}, {transform_indices = #map1}, {transform_indices = #map2}, {transform_indices = #map2}]} {
    %mul3A = arith.constant 2 : i32
    %mul3A_0 = arith.muli %arg1, %mul3A : i32
    %add3A = arith.addi %mul3A_0, %arg0 : i32
    %mul3A_1 = arith.constant 128 : i32
    %mul3A_2 = arith.muli %add3A, %mul3A_1 : i32
    "tpu.region"() ({
      %run_scoped3A = tpu.sem_alloc : memref<!tpu.dma_semaphore, #tpu.memory_space<semaphore_mem>>
      %dma_start3A = arith.constant 0 : i32
      %dma_start3A_22 = arith.constant 0 : i32
      %dma_start3A_23 = tpu.memref_slice %arg2[%add3A, %dma_start3A, %dma_start3A_22] : memref<32x26x128xi32, #tpu.memory_space<hbm>> -> memref<1x26x128xi32, #tpu.memory_space<hbm>>
      %dma_start3A_24 = tpu.memref_squeeze %dma_start3A_23 : memref<1x26x128xi32, #tpu.memory_space<hbm>> -> memref<26x128xi32, #tpu.memory_space<hbm>>
      %dma_start3A_25 = arith.constant 0 : i32
      %dma_start3A_26 = arith.constant 0 : i32
      %dma_start3A_27 = tpu.memref_slice %arg2[%add3A, %dma_start3A_25, %dma_start3A_26] : memref<32x26x128xi32, #tpu.memory_space<hbm>> -> memref<1x26x128xi32, #tpu.memory_space<hbm>>
      %dma_start3A_28 = tpu.memref_squeeze %dma_start3A_27 : memref<1x26x128xi32, #tpu.memory_space<hbm>> -> memref<26x128xi32, #tpu.memory_space<hbm>>
      tpu.enqueue_dma source(%dma_start3A_28 : memref<26x128xi32, #tpu.memory_space<hbm>>) target(%arg8 : memref<26x128xi32, #tpu.memory_space<vmem>>) target_semaphore(%run_scoped3A : memref<!tpu.dma_semaphore, #tpu.memory_space<semaphore_mem>>)
      %dma_wait3A = arith.constant 0 : i32
      %dma_wait3A_29 = arith.constant 0 : i32
      %dma_wait3A_30 = tpu.memref_slice %arg2[%add3A, %dma_wait3A, %dma_wait3A_29] : memref<32x26x128xi32, #tpu.memory_space<hbm>> -> memref<1x26x128xi32, #tpu.memory_space<hbm>>
      %dma_wait3A_31 = tpu.memref_squeeze %dma_wait3A_30 : memref<1x26x128xi32, #tpu.memory_space<hbm>> -> memref<26x128xi32, #tpu.memory_space<hbm>>
      %dma_wait3A_32 = arith.constant 0 : i32
      %dma_wait3A_33 = arith.constant 0 : i32
      %dma_wait3A_34 = tpu.memref_slice %arg2[%add3A, %dma_wait3A_32, %dma_wait3A_33] : memref<32x26x128xi32, #tpu.memory_space<hbm>> -> memref<1x26x128xi32, #tpu.memory_space<hbm>>
      %dma_wait3A_35 = tpu.memref_squeeze %dma_wait3A_34 : memref<1x26x128xi32, #tpu.memory_space<hbm>> -> memref<26x128xi32, #tpu.memory_space<hbm>>
      tpu.wait_dma2 semaphore(%run_scoped3A : memref<!tpu.dma_semaphore, #tpu.memory_space<semaphore_mem>>) src(%dma_wait3A_35 : memref<26x128xi32, #tpu.memory_space<hbm>>) dst(%arg8 : memref<26x128xi32, #tpu.memory_space<vmem>>)
      tpu.yield
    }) : () -> ()
    "tpu.region"() ({
      %run_scoped3A = tpu.sem_alloc : memref<!tpu.dma_semaphore, #tpu.memory_space<semaphore_mem>>
      %dma_start3A = arith.constant 0 : i32
      %dma_start3A_22 = tpu.memref_slice %arg3[%add3A, %dma_start3A] : memref<32x3328xf32, #tpu.memory_space<hbm>> -> memref<1x3328xf32, #tpu.memory_space<hbm>>
      %dma_start3A_23 = tpu.memref_squeeze %dma_start3A_22 : memref<1x3328xf32, #tpu.memory_space<hbm>> -> memref<3328xf32, #tpu.memory_space<hbm>>
      %dma_start3A_24 = arith.constant 0 : i32
      %dma_start3A_25 = tpu.memref_slice %arg3[%add3A, %dma_start3A_24] : memref<32x3328xf32, #tpu.memory_space<hbm>> -> memref<1x3328xf32, #tpu.memory_space<hbm>>
      %dma_start3A_26 = tpu.memref_squeeze %dma_start3A_25 : memref<1x3328xf32, #tpu.memory_space<hbm>> -> memref<3328xf32, #tpu.memory_space<hbm>>
      tpu.enqueue_dma source(%dma_start3A_26 : memref<3328xf32, #tpu.memory_space<hbm>>) target(%arg9 : memref<3328xf32, #tpu.memory_space<vmem>>) target_semaphore(%run_scoped3A : memref<!tpu.dma_semaphore, #tpu.memory_space<semaphore_mem>>)
      %dma_wait3A = arith.constant 0 : i32
      %dma_wait3A_27 = tpu.memref_slice %arg3[%add3A, %dma_wait3A] : memref<32x3328xf32, #tpu.memory_space<hbm>> -> memref<1x3328xf32, #tpu.memory_space<hbm>>
      %dma_wait3A_28 = tpu.memref_squeeze %dma_wait3A_27 : memref<1x3328xf32, #tpu.memory_space<hbm>> -> memref<3328xf32, #tpu.memory_space<hbm>>
      %dma_wait3A_29 = arith.constant 0 : i32
      %dma_wait3A_30 = tpu.memref_slice %arg3[%add3A, %dma_wait3A_29] : memref<32x3328xf32, #tpu.memory_space<hbm>> -> memref<1x3328xf32, #tpu.memory_space<hbm>>
      %dma_wait3A_31 = tpu.memref_squeeze %dma_wait3A_30 : memref<1x3328xf32, #tpu.memory_space<hbm>> -> memref<3328xf32, #tpu.memory_space<hbm>>
      tpu.wait_dma2 semaphore(%run_scoped3A : memref<!tpu.dma_semaphore, #tpu.memory_space<semaphore_mem>>) src(%dma_wait3A_31 : memref<3328xf32, #tpu.memory_space<hbm>>) dst(%arg9 : memref<3328xf32, #tpu.memory_space<vmem>>)
      tpu.yield
    }) : () -> ()
    "tpu.region"() ({
      %run_scoped3A = tpu.sem_alloc : memref<!tpu.dma_semaphore, #tpu.memory_space<semaphore_mem>>
      tpu.enqueue_dma source(%arg6 : memref<16xf32, #tpu.memory_space<hbm>>) target(%arg12 : memref<16xf32, #tpu.memory_space<vmem>>) target_semaphore(%run_scoped3A : memref<!tpu.dma_semaphore, #tpu.memory_space<semaphore_mem>>)
      tpu.wait_dma2 semaphore(%run_scoped3A : memref<!tpu.dma_semaphore, #tpu.memory_space<semaphore_mem>>) src(%arg6 : memref<16xf32, #tpu.memory_space<hbm>>) dst(%arg12 : memref<16xf32, #tpu.memory_space<vmem>>)
      tpu.yield
    }) : () -> ()
    %scan3A = arith.constant 0 : i32
    %scan3A_3 = arith.constant 0 : i32
    %scan3A_4 = arith.constant 26 : i32
    %scan3A_5 = arith.addi %scan3A_3, %scan3A_4 : i32
    %scan3A_6 = arith.constant 1 : i32
    scf.for %scan3A_22 = %scan3A_3 to %scan3A_5 step %scan3A_6  : i32 {
      %mul3A_23 = arith.constant 128 : i32
      %mul3A_24 = arith.muli %scan3A_22, %mul3A_23 : i32
      %mul3A_25 = arith.constant 128 : i32
      %mul3A_26 = arith.muli %scan3A_22, %mul3A_25 : i32
      %dma_start3A = arith.constant 0 : i32
      %dma_start3A_27 = tpu.memref_slice %arg10[%mul3A_24, %dma_start3A] : memref<3328x16xf32, #tpu.memory_space<vmem>> -> memref<128x16xf32, #tpu.memory_space<vmem>>
      %dma_start3A_28 = arith.constant 0 : i32
      %dma_start3A_29 = tpu.memref_slice %arg8[%scan3A_22, %dma_start3A_28] : memref<26x128xi32, #tpu.memory_space<vmem>> -> memref<1x128xi32, #tpu.memory_space<vmem>>
      %dma_start3A_30 = tpu.memref_squeeze %dma_start3A_29 : memref<1x128xi32, #tpu.memory_space<vmem>> -> memref<128xi32, #tpu.memory_space<vmem>>
      %dma_start3A_31 = arith.constant 0 : i32
      %dma_start3A_32 = arith.constant 0 : i32
      %dma_start3A_33 = tpu.memref_slice %arg5[%dma_start3A_31, %dma_start3A_32] : memref<1000000x16xf32, #tpu.memory_space<hbm>> -> memref<1000000x16xf32, #tpu.memory_space<hbm>>
      tpu.enqueue_indirect_dma source(%dma_start3A_33 : memref<1000000x16xf32, #tpu.memory_space<hbm>>) target(%dma_start3A_27 : memref<128x16xf32, #tpu.memory_space<vmem>>) offsets(%dma_start3A_30 : memref<128xi32, #tpu.memory_space<vmem>>) semaphore(%arg14 : memref<!tpu.dma_semaphore, #tpu.memory_space<semaphore_mem>>)
      %dma_start3A_34 = tpu.memref_slice %arg11[%mul3A_26] : memref<3328xf32, #tpu.memory_space<vmem>> -> memref<128xf32, #tpu.memory_space<vmem>>
      %dma_start3A_35 = arith.constant 0 : i32
      %dma_start3A_36 = tpu.memref_slice %arg8[%scan3A_22, %dma_start3A_35] : memref<26x128xi32, #tpu.memory_space<vmem>> -> memref<1x128xi32, #tpu.memory_space<vmem>>
      %dma_start3A_37 = tpu.memref_squeeze %dma_start3A_36 : memref<1x128xi32, #tpu.memory_space<vmem>> -> memref<128xi32, #tpu.memory_space<vmem>>
      %dma_start3A_38 = arith.constant 0 : i32
      %dma_start3A_39 = tpu.memref_slice %arg4[%dma_start3A_38] : memref<1000000xf32, #tpu.memory_space<hbm>> -> memref<1000000xf32, #tpu.memory_space<hbm>>
      tpu.enqueue_indirect_dma source(%dma_start3A_39 : memref<1000000xf32, #tpu.memory_space<hbm>>) target(%dma_start3A_34 : memref<128xf32, #tpu.memory_space<vmem>>) offsets(%dma_start3A_37 : memref<128xi32, #tpu.memory_space<vmem>>) semaphore(%arg15 : memref<!tpu.dma_semaphore, #tpu.memory_space<semaphore_mem>>)
      %dma_wait3A = arith.constant 0 : i32
      %dma_wait3A_40 = tpu.memref_slice %arg10[%mul3A_24, %dma_wait3A] : memref<3328x16xf32, #tpu.memory_space<vmem>> -> memref<128x16xf32, #tpu.memory_space<vmem>>
      %dma_wait3A_41 = arith.constant 0 : i32
      %dma_wait3A_42 = tpu.memref_slice %arg8[%scan3A_22, %dma_wait3A_41] : memref<26x128xi32, #tpu.memory_space<vmem>> -> memref<1x128xi32, #tpu.memory_space<vmem>>
      %dma_wait3A_43 = tpu.memref_squeeze %dma_wait3A_42 : memref<1x128xi32, #tpu.memory_space<vmem>> -> memref<128xi32, #tpu.memory_space<vmem>>
      %dma_wait3A_44 = arith.constant 0 : i32
      %dma_wait3A_45 = arith.constant 0 : i32
      %dma_wait3A_46 = tpu.memref_slice %arg5[%dma_wait3A_44, %dma_wait3A_45] : memref<1000000x16xf32, #tpu.memory_space<hbm>> -> memref<1000000x16xf32, #tpu.memory_space<hbm>>
      tpu.wait_indirect_dma semaphore(%arg14 : memref<!tpu.dma_semaphore, #tpu.memory_space<semaphore_mem>>) src(%dma_wait3A_46 : memref<1000000x16xf32, #tpu.memory_space<hbm>>) dst(%dma_wait3A_40 : memref<128x16xf32, #tpu.memory_space<vmem>>)
      %dma_wait3A_47 = tpu.memref_slice %arg11[%mul3A_26] : memref<3328xf32, #tpu.memory_space<vmem>> -> memref<128xf32, #tpu.memory_space<vmem>>
      %dma_wait3A_48 = arith.constant 0 : i32
      %dma_wait3A_49 = tpu.memref_slice %arg8[%scan3A_22, %dma_wait3A_48] : memref<26x128xi32, #tpu.memory_space<vmem>> -> memref<1x128xi32, #tpu.memory_space<vmem>>
      %dma_wait3A_50 = tpu.memref_squeeze %dma_wait3A_49 : memref<1x128xi32, #tpu.memory_space<vmem>> -> memref<128xi32, #tpu.memory_space<vmem>>
      %dma_wait3A_51 = arith.constant 0 : i32
      %dma_wait3A_52 = tpu.memref_slice %arg4[%dma_wait3A_51] : memref<1000000xf32, #tpu.memory_space<hbm>> -> memref<1000000xf32, #tpu.memory_space<hbm>>
      tpu.wait_indirect_dma semaphore(%arg15 : memref<!tpu.dma_semaphore, #tpu.memory_space<semaphore_mem>>) src(%dma_wait3A_52 : memref<1000000xf32, #tpu.memory_space<hbm>>) dst(%dma_wait3A_47 : memref<128xf32, #tpu.memory_space<vmem>>)
    }
    %scan3A_7 = arith.constant 26 : i32
    %get3A = arith.constant 0 : index
    %get3A_8 = tpu.vector_load %arg12[%get3A] {strides = array<i32>} : memref<16xf32, #tpu.memory_space<vmem>>, vector<16xf32>,
    %iota3A = tpu.iota {dimensions = array<i32: 0>} : vector<16xi32>
    %mul3A_9 = arith.constant 0 : i32
    %mul3A_10 = vector.broadcast %mul3A_9 : i32 to vector<16xi32>
    %mul3A_11 = arith.muli %iota3A, %mul3A_10 : vector<16xi32>
    %ge3A = arith.constant 6 : i32
    %ge3A_12 = vector.broadcast %ge3A : i32 to vector<16xi32>
    %ge3A_13 = arith.cmpi sge, %iota3A, %ge3A_12 : vector<16xi32>
    %jit3A = arith.constant 1.000000e+00 : f32
    %jit3A_14 = arith.constant 0.000000e+00 : f32
    %broadcast_in_dim3A = vector.broadcast %jit3A : f32 to vector<16xf32>
    %broadcast_in_dim3A_15 = vector.broadcast %jit3A_14 : f32 to vector<16xf32>
    %select_n3A = arith.select %ge3A_13, %broadcast_in_dim3A, %broadcast_in_dim3A_15 : vector<16xi1>, vector<16xf32>
    %scan3A_16 = arith.constant 0 : i32
    %scan3A_17 = arith.constant 0 : i32
    %scan3A_18 = arith.constant 8 : i32
    %scan3A_19 = arith.addi %scan3A_17, %scan3A_18 : i32
    %scan3A_20 = arith.constant 1 : i32
    scf.for %scan3A_22 = %scan3A_17 to %scan3A_19 step %scan3A_20  : i32 {
      %broadcast_in_dim3A_23 = arith.constant 0.000000e+00 : f32
      %broadcast_in_dim3A_24 = vector.broadcast %broadcast_in_dim3A_23 : f32 to vector<16xf32>
      %scan3A_25 = arith.constant 0 : i32
      %scan3A_26 = arith.constant 16 : i32
      %scan3A_27 = arith.addi %scan3A_25, %scan3A_26 : i32
      %scan3A_28 = arith.constant 1 : i32
      %scan3A_29 = scf.for %scan3A_42 = %scan3A_25 to %scan3A_27 step %scan3A_28 iter_args(%scan3A_43 = %broadcast_in_dim3A_24) -> (vector<16xf32>)  : i32 {
        %mul3A_44 = arith.constant 16 : i32
        %mul3A_45 = arith.muli %scan3A_22, %mul3A_44 : i32
        %add3A_46 = arith.addi %mul3A_45, %scan3A_42 : i32
        %mul3A_47 = arith.constant 26 : i32
        %mul3A_48 = arith.muli %add3A_46, %mul3A_47 : i32
        %add3A_49 = vector.broadcast %mul3A_48 : i32 to vector<16xi32>
        %add3A_50 = arith.addi %add3A_49, %iota3A : vector<16xi32>
        %gather3A = tpu.vector_load_idx %arg9[%add3A_50] : memref<3328xf32, #tpu.memory_space<vmem>>[vector<16xi32>], vector<16xf32>,
        %add3A_51 = arith.constant 10 : i32
        %add3A_52 = arith.addi %mul3A_48, %add3A_51 : i32
        %add3A_53 = vector.broadcast %add3A_52 : i32 to vector<16xi32>
        %add3A_54 = arith.addi %add3A_53, %iota3A : vector<16xi32>
        %gather3A_55 = tpu.vector_load_idx %arg9[%add3A_54] : memref<3328xf32, #tpu.memory_space<vmem>>[vector<16xi32>], vector<16xf32>,
        %add3A_56 = vector.broadcast %mul3A_48 : i32 to vector<16xi32>
        %add3A_57 = arith.addi %add3A_56, %iota3A : vector<16xi32>
        %gather3A_58 = tpu.vector_load_idx %arg11[%add3A_57] : memref<3328xf32, #tpu.memory_space<vmem>>[vector<16xi32>], vector<16xf32>,
        %add3A_59 = arith.constant 10 : i32
        %add3A_60 = arith.addi %mul3A_48, %add3A_59 : i32
        %add3A_61 = vector.broadcast %add3A_60 : i32 to vector<16xi32>
        %add3A_62 = arith.addi %add3A_61, %iota3A : vector<16xi32>
        %gather3A_63 = tpu.vector_load_idx %arg11[%add3A_62] : memref<3328xf32, #tpu.memory_space<vmem>>[vector<16xi32>], vector<16xf32>,
        %mul3A_64 = arith.mulf %gather3A, %gather3A_58 : vector<16xf32>
        %mul3A_65 = arith.mulf %gather3A_55, %gather3A_63 : vector<16xf32>
        %mul3A_66 = arith.mulf %select_n3A, %mul3A_65 : vector<16xf32>
        %add3A_67 = arith.addf %mul3A_64, %mul3A_66 : vector<16xf32>
        %reduce_sum3A = arith.constant true
        %reduce_sum3A_68 = vector.broadcast %reduce_sum3A : i1 to vector<16xi1>
        %reduce_sum3A_69 = tpu.scan <sum>, %add3A_67 masked %reduce_sum3A_68 : vector<16xf32>, vector<16xi1> -> vector<16xf32>
        %reduce_sum3A_70 = vector.extract %reduce_sum3A_69[15] : f32 from vector<16xf32>
        %broadcast_in_dim3A_71 = arith.constant 0.000000e+00 : f32
        %broadcast_in_dim3A_72 = vector.broadcast %broadcast_in_dim3A_71 : f32 to vector<16xf32>
        %broadcast_in_dim3A_73 = arith.constant 0.000000e+00 : f32
        %broadcast_in_dim3A_74 = vector.broadcast %broadcast_in_dim3A_73 : f32 to vector<16xf32>
        %slice3A = vector.extract_strided_slice %gather3A {offsets = [0], sizes = [1], strides = [1]} : vector<16xf32> to vector<1xf32>
        %squeeze3A = vector.extract %slice3A[0] : f32 from vector<1xf32>
        %add3A_75 = arith.constant 0 : i32
        %add3A_76 = arith.addi %mul3A_48, %add3A_75 : i32
        %get3A_77 = arith.index_cast %add3A_76 : i32 to index
        %get3A_78 = arith.constant 0 : index
        %get3A_79 = tpu.vector_load %arg10[%get3A_77, %get3A_78] {strides = array<i32>} : memref<3328x16xf32, #tpu.memory_space<vmem>>, vector<16xf32>,
        %mul3A_80 = vector.broadcast %squeeze3A : f32 to vector<16xf32>
        %mul3A_81 = arith.mulf %mul3A_80, %get3A_79 : vector<16xf32>
        %add3A_82 = arith.addf %broadcast_in_dim3A_72, %mul3A_81 : vector<16xf32>
        %mul3A_83 = arith.mulf %mul3A_81, %mul3A_81 : vector<16xf32>
        %add3A_84 = arith.addf %broadcast_in_dim3A_74, %mul3A_83 : vector<16xf32>
        %slice3A_85 = vector.extract_strided_slice %gather3A {offsets = [1], sizes = [1], strides = [1]} : vector<16xf32> to vector<1xf32>
        %squeeze3A_86 = vector.extract %slice3A_85[0] : f32 from vector<1xf32>
        %add3A_87 = arith.constant 1 : i32
        %add3A_88 = arith.addi %mul3A_48, %add3A_87 : i32
        %get3A_89 = arith.index_cast %add3A_88 : i32 to index
        %get3A_90 = arith.constant 0 : index
        %get3A_91 = tpu.vector_load %arg10[%get3A_89, %get3A_90] {strides = array<i32>} : memref<3328x16xf32, #tpu.memory_space<vmem>>, vector<16xf32>,
        %mul3A_92 = vector.broadcast %squeeze3A_86 : f32 to vector<16xf32>
        %mul3A_93 = arith.mulf %mul3A_92, %get3A_91 : vector<16xf32>
        %add3A_94 = arith.addf %add3A_82, %mul3A_93 : vector<16xf32>
        %mul3A_95 = arith.mulf %mul3A_93, %mul3A_93 : vector<16xf32>
        %add3A_96 = arith.addf %add3A_84, %mul3A_95 : vector<16xf32>
        %slice3A_97 = vector.extract_strided_slice %gather3A {offsets = [2], sizes = [1], strides = [1]} : vector<16xf32> to vector<1xf32>
        %squeeze3A_98 = vector.extract %slice3A_97[0] : f32 from vector<1xf32>
        %add3A_99 = arith.constant 2 : i32
        %add3A_100 = arith.addi %mul3A_48, %add3A_99 : i32
        %get3A_101 = arith.index_cast %add3A_100 : i32 to index
        %get3A_102 = arith.constant 0 : index
        %get3A_103 = tpu.vector_load %arg10[%get3A_101, %get3A_102] {strides = array<i32>} : memref<3328x16xf32, #tpu.memory_space<vmem>>, vector<16xf32>,
        %mul3A_104 = vector.broadcast %squeeze3A_98 : f32 to vector<16xf32>
        %mul3A_105 = arith.mulf %mul3A_104, %get3A_103 : vector<16xf32>
        %add3A_106 = arith.addf %add3A_94, %mul3A_105 : vector<16xf32>
        %mul3A_107 = arith.mulf %mul3A_105, %mul3A_105 : vector<16xf32>
        %add3A_108 = arith.addf %add3A_96, %mul3A_107 : vector<16xf32>
        %slice3A_109 = vector.extract_strided_slice %gather3A {offsets = [3], sizes = [1], strides = [1]} : vector<16xf32> to vector<1xf32>
        %squeeze3A_110 = vector.extract %slice3A_109[0] : f32 from vector<1xf32>
        %add3A_111 = arith.constant 3 : i32
        %add3A_112 = arith.addi %mul3A_48, %add3A_111 : i32
        %get3A_113 = arith.index_cast %add3A_112 : i32 to index
        %get3A_114 = arith.constant 0 : index
        %get3A_115 = tpu.vector_load %arg10[%get3A_113, %get3A_114] {strides = array<i32>} : memref<3328x16xf32, #tpu.memory_space<vmem>>, vector<16xf32>,
        %mul3A_116 = vector.broadcast %squeeze3A_110 : f32 to vector<16xf32>
        %mul3A_117 = arith.mulf %mul3A_116, %get3A_115 : vector<16xf32>
        %add3A_118 = arith.addf %add3A_106, %mul3A_117 : vector<16xf32>
        %mul3A_119 = arith.mulf %mul3A_117, %mul3A_117 : vector<16xf32>
        %add3A_120 = arith.addf %add3A_108, %mul3A_119 : vector<16xf32>
        %slice3A_121 = vector.extract_strided_slice %gather3A {offsets = [4], sizes = [1], strides = [1]} : vector<16xf32> to vector<1xf32>
        %squeeze3A_122 = vector.extract %slice3A_121[0] : f32 from vector<1xf32>
        %add3A_123 = arith.constant 4 : i32
        %add3A_124 = arith.addi %mul3A_48, %add3A_123 : i32
        %get3A_125 = arith.index_cast %add3A_124 : i32 to index
        %get3A_126 = arith.constant 0 : index
        %get3A_127 = tpu.vector_load %arg10[%get3A_125, %get3A_126] {strides = array<i32>} : memref<3328x16xf32, #tpu.memory_space<vmem>>, vector<16xf32>,
        %mul3A_128 = vector.broadcast %squeeze3A_122 : f32 to vector<16xf32>
        %mul3A_129 = arith.mulf %mul3A_128, %get3A_127 : vector<16xf32>
        %add3A_130 = arith.addf %add3A_118, %mul3A_129 : vector<16xf32>
        %mul3A_131 = arith.mulf %mul3A_129, %mul3A_129 : vector<16xf32>
        %add3A_132 = arith.addf %add3A_120, %mul3A_131 : vector<16xf32>
        %slice3A_133 = vector.extract_strided_slice %gather3A {offsets = [5], sizes = [1], strides = [1]} : vector<16xf32> to vector<1xf32>
        %squeeze3A_134 = vector.extract %slice3A_133[0] : f32 from vector<1xf32>
        %add3A_135 = arith.constant 5 : i32
        %add3A_136 = arith.addi %mul3A_48, %add3A_135 : i32
        %get3A_137 = arith.index_cast %add3A_136 : i32 to index
        %get3A_138 = arith.constant 0 : index
        %get3A_139 = tpu.vector_load %arg10[%get3A_137, %get3A_138] {strides = array<i32>} : memref<3328x16xf32, #tpu.memory_space<vmem>>, vector<16xf32>,
        %mul3A_140 = vector.broadcast %squeeze3A_134 : f32 to vector<16xf32>
        %mul3A_141 = arith.mulf %mul3A_140, %get3A_139 : vector<16xf32>
        %add3A_142 = arith.addf %add3A_130, %mul3A_141 : vector<16xf32>
        %mul3A_143 = arith.mulf %mul3A_141, %mul3A_141 : vector<16xf32>
        %add3A_144 = arith.addf %add3A_132, %mul3A_143 : vector<16xf32>
        %slice3A_145 = vector.extract_strided_slice %gather3A {offsets = [6], sizes = [1], strides = [1]} : vector<16xf32> to vector<1xf32>
        %squeeze3A_146 = vector.extract %slice3A_145[0] : f32 from vector<1xf32>
        %add3A_147 = arith.constant 6 : i32
        %add3A_148 = arith.addi %mul3A_48, %add3A_147 : i32
        %get3A_149 = arith.index_cast %add3A_148 : i32 to index
        %get3A_150 = arith.constant 0 : index
        %get3A_151 = tpu.vector_load %arg10[%get3A_149, %get3A_150] {strides = array<i32>} : memref<3328x16xf32, #tpu.memory_space<vmem>>, vector<16xf32>,
        %mul3A_152 = vector.broadcast %squeeze3A_146 : f32 to vector<16xf32>
        %mul3A_153 = arith.mulf %mul3A_152, %get3A_151 : vector<16xf32>
        %add3A_154 = arith.addf %add3A_142, %mul3A_153 : vector<16xf32>
        %mul3A_155 = arith.mulf %mul3A_153, %mul3A_153 : vector<16xf32>
        %add3A_156 = arith.addf %add3A_144, %mul3A_155 : vector<16xf32>
        %slice3A_157 = vector.extract_strided_slice %gather3A {offsets = [7], sizes = [1], strides = [1]} : vector<16xf32> to vector<1xf32>
        %squeeze3A_158 = vector.extract %slice3A_157[0] : f32 from vector<1xf32>
        %add3A_159 = arith.constant 7 : i32
        %add3A_160 = arith.addi %mul3A_48, %add3A_159 : i32
        %get3A_161 = arith.index_cast %add3A_160 : i32 to index
        %get3A_162 = arith.constant 0 : index
        %get3A_163 = tpu.vector_load %arg10[%get3A_161, %get3A_162] {strides = array<i32>} : memref<3328x16xf32, #tpu.memory_space<vmem>>, vector<16xf32>,
        %mul3A_164 = vector.broadcast %squeeze3A_158 : f32 to vector<16xf32>
        %mul3A_165 = arith.mulf %mul3A_164, %get3A_163 : vector<16xf32>
        %add3A_166 = arith.addf %add3A_154, %mul3A_165 : vector<16xf32>
        %mul3A_167 = arith.mulf %mul3A_165, %mul3A_165 : vector<16xf32>
        %add3A_168 = arith.addf %add3A_156, %mul3A_167 : vector<16xf32>
        %slice3A_169 = vector.extract_strided_slice %gather3A {offsets = [8], sizes = [1], strides = [1]} : vector<16xf32> to vector<1xf32>
        %squeeze3A_170 = vector.extract %slice3A_169[0] : f32 from vector<1xf32>
        %add3A_171 = arith.constant 8 : i32
        %add3A_172 = arith.addi %mul3A_48, %add3A_171 : i32
        %get3A_173 = arith.index_cast %add3A_172 : i32 to index
        %get3A_174 = arith.constant 0 : index
        %get3A_175 = tpu.vector_load %arg10[%get3A_173, %get3A_174] {strides = array<i32>} : memref<3328x16xf32, #tpu.memory_space<vmem>>, vector<16xf32>,
        %mul3A_176 = vector.broadcast %squeeze3A_170 : f32 to vector<16xf32>
        %mul3A_177 = arith.mulf %mul3A_176, %get3A_175 : vector<16xf32>
        %add3A_178 = arith.addf %add3A_166, %mul3A_177 : vector<16xf32>
        %mul3A_179 = arith.mulf %mul3A_177, %mul3A_177 : vector<16xf32>
        %add3A_180 = arith.addf %add3A_168, %mul3A_179 : vector<16xf32>
        %slice3A_181 = vector.extract_strided_slice %gather3A {offsets = [9], sizes = [1], strides = [1]} : vector<16xf32> to vector<1xf32>
        %squeeze3A_182 = vector.extract %slice3A_181[0] : f32 from vector<1xf32>
        %add3A_183 = arith.constant 9 : i32
        %add3A_184 = arith.addi %mul3A_48, %add3A_183 : i32
        %get3A_185 = arith.index_cast %add3A_184 : i32 to index
        %get3A_186 = arith.constant 0 : index
        %get3A_187 = tpu.vector_load %arg10[%get3A_185, %get3A_186] {strides = array<i32>} : memref<3328x16xf32, #tpu.memory_space<vmem>>, vector<16xf32>,
        %mul3A_188 = vector.broadcast %squeeze3A_182 : f32 to vector<16xf32>
        %mul3A_189 = arith.mulf %mul3A_188, %get3A_187 : vector<16xf32>
        %add3A_190 = arith.addf %add3A_178, %mul3A_189 : vector<16xf32>
        %mul3A_191 = arith.mulf %mul3A_189, %mul3A_189 : vector<16xf32>
        %add3A_192 = arith.addf %add3A_180, %mul3A_191 : vector<16xf32>
        %slice3A_193 = vector.extract_strided_slice %gather3A {offsets = [10], sizes = [1], strides = [1]} : vector<16xf32> to vector<1xf32>
        %squeeze3A_194 = vector.extract %slice3A_193[0] : f32 from vector<1xf32>
        %add3A_195 = arith.constant 10 : i32
        %add3A_196 = arith.addi %mul3A_48, %add3A_195 : i32
        %get3A_197 = arith.index_cast %add3A_196 : i32 to index
        %get3A_198 = arith.constant 0 : index
        %get3A_199 = tpu.vector_load %arg10[%get3A_197, %get3A_198] {strides = array<i32>} : memref<3328x16xf32, #tpu.memory_space<vmem>>, vector<16xf32>,
        %mul3A_200 = vector.broadcast %squeeze3A_194 : f32 to vector<16xf32>
        %mul3A_201 = arith.mulf %mul3A_200, %get3A_199 : vector<16xf32>
        %add3A_202 = arith.addf %add3A_190, %mul3A_201 : vector<16xf32>
        %mul3A_203 = arith.mulf %mul3A_201, %mul3A_201 : vector<16xf32>
        %add3A_204 = arith.addf %add3A_192, %mul3A_203 : vector<16xf32>
        %slice3A_205 = vector.extract_strided_slice %gather3A {offsets = [11], sizes = [1], strides = [1]} : vector<16xf32> to vector<1xf32>
        %squeeze3A_206 = vector.extract %slice3A_205[0] : f32 from vector<1xf32>
        %add3A_207 = arith.constant 11 : i32
        %add3A_208 = arith.addi %mul3A_48, %add3A_207 : i32
        %get3A_209 = arith.index_cast %add3A_208 : i32 to index
        %get3A_210 = arith.constant 0 : index
        %get3A_211 = tpu.vector_load %arg10[%get3A_209, %get3A_210] {strides = array<i32>} : memref<3328x16xf32, #tpu.memory_space<vmem>>, vector<16xf32>,
        %mul3A_212 = vector.broadcast %squeeze3A_206 : f32 to vector<16xf32>
        %mul3A_213 = arith.mulf %mul3A_212, %get3A_211 : vector<16xf32>
        %add3A_214 = arith.addf %add3A_202, %mul3A_213 : vector<16xf32>
        %mul3A_215 = arith.mulf %mul3A_213, %mul3A_213 : vector<16xf32>
        %add3A_216 = arith.addf %add3A_204, %mul3A_215 : vector<16xf32>
        %slice3A_217 = vector.extract_strided_slice %gather3A {offsets = [12], sizes = [1], strides = [1]} : vector<16xf32> to vector<1xf32>
        %squeeze3A_218 = vector.extract %slice3A_217[0] : f32 from vector<1xf32>
        %add3A_219 = arith.constant 12 : i32
        %add3A_220 = arith.addi %mul3A_48, %add3A_219 : i32
        %get3A_221 = arith.index_cast %add3A_220 : i32 to index
        %get3A_222 = arith.constant 0 : index
        %get3A_223 = tpu.vector_load %arg10[%get3A_221, %get3A_222] {strides = array<i32>} : memref<3328x16xf32, #tpu.memory_space<vmem>>, vector<16xf32>,
        %mul3A_224 = vector.broadcast %squeeze3A_218 : f32 to vector<16xf32>
        %mul3A_225 = arith.mulf %mul3A_224, %get3A_223 : vector<16xf32>
        %add3A_226 = arith.addf %add3A_214, %mul3A_225 : vector<16xf32>
        %mul3A_227 = arith.mulf %mul3A_225, %mul3A_225 : vector<16xf32>
        %add3A_228 = arith.addf %add3A_216, %mul3A_227 : vector<16xf32>
        %slice3A_229 = vector.extract_strided_slice %gather3A {offsets = [13], sizes = [1], strides = [1]} : vector<16xf32> to vector<1xf32>
        %squeeze3A_230 = vector.extract %slice3A_229[0] : f32 from vector<1xf32>
        %add3A_231 = arith.constant 13 : i32
        %add3A_232 = arith.addi %mul3A_48, %add3A_231 : i32
        %get3A_233 = arith.index_cast %add3A_232 : i32 to index
        %get3A_234 = arith.constant 0 : index
        %get3A_235 = tpu.vector_load %arg10[%get3A_233, %get3A_234] {strides = array<i32>} : memref<3328x16xf32, #tpu.memory_space<vmem>>, vector<16xf32>,
        %mul3A_236 = vector.broadcast %squeeze3A_230 : f32 to vector<16xf32>
        %mul3A_237 = arith.mulf %mul3A_236, %get3A_235 : vector<16xf32>
        %add3A_238 = arith.addf %add3A_226, %mul3A_237 : vector<16xf32>
        %mul3A_239 = arith.mulf %mul3A_237, %mul3A_237 : vector<16xf32>
        %add3A_240 = arith.addf %add3A_228, %mul3A_239 : vector<16xf32>
        %slice3A_241 = vector.extract_strided_slice %gather3A {offsets = [14], sizes = [1], strides = [1]} : vector<16xf32> to vector<1xf32>
        %squeeze3A_242 = vector.extract %slice3A_241[0] : f32 from vector<1xf32>
        %add3A_243 = arith.constant 14 : i32
        %add3A_244 = arith.addi %mul3A_48, %add3A_243 : i32
        %get3A_245 = arith.index_cast %add3A_244 : i32 to index
        %get3A_246 = arith.constant 0 : index
        %get3A_247 = tpu.vector_load %arg10[%get3A_245, %get3A_246] {strides = array<i32>} : memref<3328x16xf32, #tpu.memory_space<vmem>>, vector<16xf32>,
        %mul3A_248 = vector.broadcast %squeeze3A_242 : f32 to vector<16xf32>
        %mul3A_249 = arith.mulf %mul3A_248, %get3A_247 : vector<16xf32>
        %add3A_250 = arith.addf %add3A_238, %mul3A_249 : vector<16xf32>
        %mul3A_251 = arith.mulf %mul3A_249, %mul3A_249 : vector<16xf32>
        %add3A_252 = arith.addf %add3A_240, %mul3A_251 : vector<16xf32>
        %slice3A_253 = vector.extract_strided_slice %gather3A {offsets = [15], sizes = [1], strides = [1]} : vector<16xf32> to vector<1xf32>
        %squeeze3A_254 = vector.extract %slice3A_253[0] : f32 from vector<1xf32>
        %add3A_255 = arith.constant 15 : i32
        %add3A_256 = arith.addi %mul3A_48, %add3A_255 : i32
        %get3A_257 = arith.index_cast %add3A_256 : i32 to index
        %get3A_258 = arith.constant 0 : index
        %get3A_259 = tpu.vector_load %arg10[%get3A_257, %get3A_258] {strides = array<i32>} : memref<3328x16xf32, #tpu.memory_space<vmem>>, vector<16xf32>,
        %mul3A_260 = vector.broadcast %squeeze3A_254 : f32 to vector<16xf32>
        %mul3A_261 = arith.mulf %mul3A_260, %get3A_259 : vector<16xf32>
        %add3A_262 = arith.addf %add3A_250, %mul3A_261 : vector<16xf32>
        %mul3A_263 = arith.mulf %mul3A_261, %mul3A_261 : vector<16xf32>
        %add3A_264 = arith.addf %add3A_252, %mul3A_263 : vector<16xf32>
        %slice3A_265 = vector.extract_strided_slice %gather3A_55 {offsets = [6], sizes = [1], strides = [1]} : vector<16xf32> to vector<1xf32>
        %squeeze3A_266 = vector.extract %slice3A_265[0] : f32 from vector<1xf32>
        %add3A_267 = arith.constant 16 : i32
        %add3A_268 = arith.addi %mul3A_48, %add3A_267 : i32
        %get3A_269 = arith.index_cast %add3A_268 : i32 to index
        %get3A_270 = arith.constant 0 : index
        %get3A_271 = tpu.vector_load %arg10[%get3A_269, %get3A_270] {strides = array<i32>} : memref<3328x16xf32, #tpu.memory_space<vmem>>, vector<16xf32>,
        %mul3A_272 = vector.broadcast %squeeze3A_266 : f32 to vector<16xf32>
        %mul3A_273 = arith.mulf %mul3A_272, %get3A_271 : vector<16xf32>
        %add3A_274 = arith.addf %add3A_262, %mul3A_273 : vector<16xf32>
        %mul3A_275 = arith.mulf %mul3A_273, %mul3A_273 : vector<16xf32>
        %add3A_276 = arith.addf %add3A_264, %mul3A_275 : vector<16xf32>
        %slice3A_277 = vector.extract_strided_slice %gather3A_55 {offsets = [7], sizes = [1], strides = [1]} : vector<16xf32> to vector<1xf32>
        %squeeze3A_278 = vector.extract %slice3A_277[0] : f32 from vector<1xf32>
        %add3A_279 = arith.constant 17 : i32
        %add3A_280 = arith.addi %mul3A_48, %add3A_279 : i32
        %get3A_281 = arith.index_cast %add3A_280 : i32 to index
        %get3A_282 = arith.constant 0 : index
        %get3A_283 = tpu.vector_load %arg10[%get3A_281, %get3A_282] {strides = array<i32>} : memref<3328x16xf32, #tpu.memory_space<vmem>>, vector<16xf32>,
        %mul3A_284 = vector.broadcast %squeeze3A_278 : f32 to vector<16xf32>
        %mul3A_285 = arith.mulf %mul3A_284, %get3A_283 : vector<16xf32>
        %add3A_286 = arith.addf %add3A_274, %mul3A_285 : vector<16xf32>
        %mul3A_287 = arith.mulf %mul3A_285, %mul3A_285 : vector<16xf32>
        %add3A_288 = arith.addf %add3A_276, %mul3A_287 : vector<16xf32>
        %slice3A_289 = vector.extract_strided_slice %gather3A_55 {offsets = [8], sizes = [1], strides = [1]} : vector<16xf32> to vector<1xf32>
        %squeeze3A_290 = vector.extract %slice3A_289[0] : f32 from vector<1xf32>
        %add3A_291 = arith.constant 18 : i32
        %add3A_292 = arith.addi %mul3A_48, %add3A_291 : i32
        %get3A_293 = arith.index_cast %add3A_292 : i32 to index
        %get3A_294 = arith.constant 0 : index
        %get3A_295 = tpu.vector_load %arg10[%get3A_293, %get3A_294] {strides = array<i32>} : memref<3328x16xf32, #tpu.memory_space<vmem>>, vector<16xf32>,
        %mul3A_296 = vector.broadcast %squeeze3A_290 : f32 to vector<16xf32>
        %mul3A_297 = arith.mulf %mul3A_296, %get3A_295 : vector<16xf32>
        %add3A_298 = arith.addf %add3A_286, %mul3A_297 : vector<16xf32>
        %mul3A_299 = arith.mulf %mul3A_297, %mul3A_297 : vector<16xf32>
        %add3A_300 = arith.addf %add3A_288, %mul3A_299 : vector<16xf32>
        %slice3A_301 = vector.extract_strided_slice %gather3A_55 {offsets = [9], sizes = [1], strides = [1]} : vector<16xf32> to vector<1xf32>
        %squeeze3A_302 = vector.extract %slice3A_301[0] : f32 from vector<1xf32>
        %add3A_303 = arith.constant 19 : i32
        %add3A_304 = arith.addi %mul3A_48, %add3A_303 : i32
        %get3A_305 = arith.index_cast %add3A_304 : i32 to index
        %get3A_306 = arith.constant 0 : index
        %get3A_307 = tpu.vector_load %arg10[%get3A_305, %get3A_306] {strides = array<i32>} : memref<3328x16xf32, #tpu.memory_space<vmem>>, vector<16xf32>,
        %mul3A_308 = vector.broadcast %squeeze3A_302 : f32 to vector<16xf32>
        %mul3A_309 = arith.mulf %mul3A_308, %get3A_307 : vector<16xf32>
        %add3A_310 = arith.addf %add3A_298, %mul3A_309 : vector<16xf32>
        %mul3A_311 = arith.mulf %mul3A_309, %mul3A_309 : vector<16xf32>
        %add3A_312 = arith.addf %add3A_300, %mul3A_311 : vector<16xf32>
        %slice3A_313 = vector.extract_strided_slice %gather3A_55 {offsets = [10], sizes = [1], strides = [1]} : vector<16xf32> to vector<1xf32>
        %squeeze3A_314 = vector.extract %slice3A_313[0] : f32 from vector<1xf32>
        %add3A_315 = arith.constant 20 : i32
        %add3A_316 = arith.addi %mul3A_48, %add3A_315 : i32
        %get3A_317 = arith.index_cast %add3A_316 : i32 to index
        %get3A_318 = arith.constant 0 : index
        %get3A_319 = tpu.vector_load %arg10[%get3A_317, %get3A_318] {strides = array<i32>} : memref<3328x16xf32, #tpu.memory_space<vmem>>, vector<16xf32>,
        %mul3A_320 = vector.broadcast %squeeze3A_314 : f32 to vector<16xf32>
        %mul3A_321 = arith.mulf %mul3A_320, %get3A_319 : vector<16xf32>
        %add3A_322 = arith.addf %add3A_310, %mul3A_321 : vector<16xf32>
        %mul3A_323 = arith.mulf %mul3A_321, %mul3A_321 : vector<16xf32>
        %add3A_324 = arith.addf %add3A_312, %mul3A_323 : vector<16xf32>
        %slice3A_325 = vector.extract_strided_slice %gather3A_55 {offsets = [11], sizes = [1], strides = [1]} : vector<16xf32> to vector<1xf32>
        %squeeze3A_326 = vector.extract %slice3A_325[0] : f32 from vector<1xf32>
        %add3A_327 = arith.constant 21 : i32
        %add3A_328 = arith.addi %mul3A_48, %add3A_327 : i32
        %get3A_329 = arith.index_cast %add3A_328 : i32 to index
        %get3A_330 = arith.constant 0 : index
        %get3A_331 = tpu.vector_load %arg10[%get3A_329, %get3A_330] {strides = array<i32>} : memref<3328x16xf32, #tpu.memory_space<vmem>>, vector<16xf32>,
        %mul3A_332 = vector.broadcast %squeeze3A_326 : f32 to vector<16xf32>
        %mul3A_333 = arith.mulf %mul3A_332, %get3A_331 : vector<16xf32>
        %add3A_334 = arith.addf %add3A_322, %mul3A_333 : vector<16xf32>
        %mul3A_335 = arith.mulf %mul3A_333, %mul3A_333 : vector<16xf32>
        %add3A_336 = arith.addf %add3A_324, %mul3A_335 : vector<16xf32>
        %slice3A_337 = vector.extract_strided_slice %gather3A_55 {offsets = [12], sizes = [1], strides = [1]} : vector<16xf32> to vector<1xf32>
        %squeeze3A_338 = vector.extract %slice3A_337[0] : f32 from vector<1xf32>
        %add3A_339 = arith.constant 22 : i32
        %add3A_340 = arith.addi %mul3A_48, %add3A_339 : i32
        %get3A_341 = arith.index_cast %add3A_340 : i32 to index
        %get3A_342 = arith.constant 0 : index
        %get3A_343 = tpu.vector_load %arg10[%get3A_341, %get3A_342] {strides = array<i32>} : memref<3328x16xf32, #tpu.memory_space<vmem>>, vector<16xf32>,
        %mul3A_344 = vector.broadcast %squeeze3A_338 : f32 to vector<16xf32>
        %mul3A_345 = arith.mulf %mul3A_344, %get3A_343 : vector<16xf32>
        %add3A_346 = arith.addf %add3A_334, %mul3A_345 : vector<16xf32>
        %mul3A_347 = arith.mulf %mul3A_345, %mul3A_345 : vector<16xf32>
        %add3A_348 = arith.addf %add3A_336, %mul3A_347 : vector<16xf32>
        %slice3A_349 = vector.extract_strided_slice %gather3A_55 {offsets = [13], sizes = [1], strides = [1]} : vector<16xf32> to vector<1xf32>
        %squeeze3A_350 = vector.extract %slice3A_349[0] : f32 from vector<1xf32>
        %add3A_351 = arith.constant 23 : i32
        %add3A_352 = arith.addi %mul3A_48, %add3A_351 : i32
        %get3A_353 = arith.index_cast %add3A_352 : i32 to index
        %get3A_354 = arith.constant 0 : index
        %get3A_355 = tpu.vector_load %arg10[%get3A_353, %get3A_354] {strides = array<i32>} : memref<3328x16xf32, #tpu.memory_space<vmem>>, vector<16xf32>,
        %mul3A_356 = vector.broadcast %squeeze3A_350 : f32 to vector<16xf32>
        %mul3A_357 = arith.mulf %mul3A_356, %get3A_355 : vector<16xf32>
        %add3A_358 = arith.addf %add3A_346, %mul3A_357 : vector<16xf32>
        %mul3A_359 = arith.mulf %mul3A_357, %mul3A_357 : vector<16xf32>
        %add3A_360 = arith.addf %add3A_348, %mul3A_359 : vector<16xf32>
        %slice3A_361 = vector.extract_strided_slice %gather3A_55 {offsets = [14], sizes = [1], strides = [1]} : vector<16xf32> to vector<1xf32>
        %squeeze3A_362 = vector.extract %slice3A_361[0] : f32 from vector<1xf32>
        %add3A_363 = arith.constant 24 : i32
        %add3A_364 = arith.addi %mul3A_48, %add3A_363 : i32
        %get3A_365 = arith.index_cast %add3A_364 : i32 to index
        %get3A_366 = arith.constant 0 : index
        %get3A_367 = tpu.vector_load %arg10[%get3A_365, %get3A_366] {strides = array<i32>} : memref<3328x16xf32, #tpu.memory_space<vmem>>, vector<16xf32>,
        %mul3A_368 = vector.broadcast %squeeze3A_362 : f32 to vector<16xf32>
        %mul3A_369 = arith.mulf %mul3A_368, %get3A_367 : vector<16xf32>
        %add3A_370 = arith.addf %add3A_358, %mul3A_369 : vector<16xf32>
        %mul3A_371 = arith.mulf %mul3A_369, %mul3A_369 : vector<16xf32>
        %add3A_372 = arith.addf %add3A_360, %mul3A_371 : vector<16xf32>
        %slice3A_373 = vector.extract_strided_slice %gather3A_55 {offsets = [15], sizes = [1], strides = [1]} : vector<16xf32> to vector<1xf32>
        %squeeze3A_374 = vector.extract %slice3A_373[0] : f32 from vector<1xf32>
        %add3A_375 = arith.constant 25 : i32
        %add3A_376 = arith.addi %mul3A_48, %add3A_375 : i32
        %get3A_377 = arith.index_cast %add3A_376 : i32 to index
        %get3A_378 = arith.constant 0 : index
        %get3A_379 = tpu.vector_load %arg10[%get3A_377, %get3A_378] {strides = array<i32>} : memref<3328x16xf32, #tpu.memory_space<vmem>>, vector<16xf32>,
        %mul3A_380 = vector.broadcast %squeeze3A_374 : f32 to vector<16xf32>
        %mul3A_381 = arith.mulf %mul3A_380, %get3A_379 : vector<16xf32>
        %add3A_382 = arith.addf %add3A_370, %mul3A_381 : vector<16xf32>
        %mul3A_383 = arith.mulf %mul3A_381, %mul3A_381 : vector<16xf32>
        %add3A_384 = arith.addf %add3A_372, %mul3A_383 : vector<16xf32>
        %mul3A_385 = arith.mulf %add3A_382, %add3A_382 : vector<16xf32>
        %sub3A = arith.subf %mul3A_385, %add3A_384 : vector<16xf32>
        %reduce_sum3A_386 = arith.constant true
        %reduce_sum3A_387 = vector.broadcast %reduce_sum3A_386 : i1 to vector<16xi1>
        %reduce_sum3A_388 = tpu.scan <sum>, %sub3A masked %reduce_sum3A_387 : vector<16xf32>, vector<16xi1> -> vector<16xf32>
        %reduce_sum3A_389 = vector.extract %reduce_sum3A_388[15] : f32 from vector<16xf32>
        %mul3A_390 = arith.constant 5.000000e-01 : f32
        %mul3A_391 = arith.mulf %mul3A_390, %reduce_sum3A_389 : f32
        %add3A_392 = arith.addf %reduce_sum3A_70, %mul3A_391 : f32
        %eq3A = vector.broadcast %scan3A_42 : i32 to vector<16xi32>
        %eq3A_393 = arith.cmpi eq, %iota3A, %eq3A : vector<16xi32>
        %broadcast_in_dim3A_394 = vector.broadcast %add3A_392 : f32 to vector<16xf32>
        %select_n3A_395 = arith.select %eq3A_393, %broadcast_in_dim3A_394, %scan3A_43 : vector<16xi1>, vector<16xf32>
        scf.yield %select_n3A_395 : vector<16xf32>
      }
      %scan3A_30 = arith.constant 16 : i32
      %add3A_31 = arith.addf %scan3A_29, %get3A_8 : vector<16xf32>
      %neg3A = arith.constant 0.000000e+00 : f32
      %neg3A_32 = vector.broadcast %neg3A : f32 to vector<16xf32>
      %neg3A_33 = arith.subf %neg3A_32, %add3A_31 : vector<16xf32>
      %exp3A = math.exp %neg3A_33 : vector<16xf32>
      %add3A_34 = arith.constant 1.000000e+00 : f32
      %add3A_35 = vector.broadcast %add3A_34 : f32 to vector<16xf32>
      %add3A_36 = arith.addf %add3A_35, %exp3A : vector<16xf32>
      %div3A = arith.constant 1.000000e+00 : f32
      %div3A_37 = vector.broadcast %div3A : f32 to vector<16xf32>
      %div3A_38 = arith.divf %div3A_37, %add3A_36 : vector<16xf32>
      %mul3A_39 = arith.constant 16 : i32
      %mul3A_40 = arith.muli %scan3A_22, %mul3A_39 : i32
      %swap3A = arith.index_cast %mul3A_40 : i32 to index
      %swap3A_41 = tpu.vector_load %arg13[%swap3A] {strides = array<i32>} : memref<128xf32, #tpu.memory_space<vmem>>, vector<16xf32>,
      tpu.vector_store %arg13[%swap3A], %div3A_38 {strides = array<i32>} : memref<128xf32, #tpu.memory_space<vmem>>, vector<16xf32>,
    }
    %scan3A_21 = arith.constant 8 : i32
    "tpu.region"() ({
      %run_scoped3A = tpu.sem_alloc : memref<!tpu.dma_semaphore, #tpu.memory_space<semaphore_mem>>
      %dma_start3A = tpu.memref_slice %arg7[%mul3A_2] : memref<4096xf32, #tpu.memory_space<hbm>> -> memref<128xf32, #tpu.memory_space<hbm>>
      %dma_start3A_22 = tpu.memref_slice %arg7[%mul3A_2] : memref<4096xf32, #tpu.memory_space<hbm>> -> memref<128xf32, #tpu.memory_space<hbm>>
      tpu.enqueue_dma source(%arg13 : memref<128xf32, #tpu.memory_space<vmem>>) target(%dma_start3A_22 : memref<128xf32, #tpu.memory_space<hbm>>) target_semaphore(%run_scoped3A : memref<!tpu.dma_semaphore, #tpu.memory_space<semaphore_mem>>)
      %dma_wait3A = tpu.memref_slice %arg7[%mul3A_2] : memref<4096xf32, #tpu.memory_space<hbm>> -> memref<128xf32, #tpu.memory_space<hbm>>
      %dma_wait3A_23 = tpu.memref_slice %arg7[%mul3A_2] : memref<4096xf32, #tpu.memory_space<hbm>> -> memref<128xf32, #tpu.memory_space<hbm>>
      tpu.wait_dma2 semaphore(%run_scoped3A : memref<!tpu.dma_semaphore, #tpu.memory_space<semaphore_mem>>) src(%arg13 : memref<128xf32, #tpu.memory_space<vmem>>) dst(%dma_wait3A_23 : memref<128xf32, #tpu.memory_space<hbm>>)
      tpu.yield
    }) : () -> ()
    return
  }
}

</mosaic_0001>

<sc_bundles>
// kernel: kernel.3.cloned.1.call-start
scs
__scs_entry_jumppad:
0x0: {  	(pc) =	sbr.rel $0x88, $3  }
0x1: {  	(tag) =	ssettag $0x0;
	lr =	simm.s32 $0x1  }
0x2: {  	[smem:$0x3F9C] =	sst lr;
	_ =	strace $0xD0000000  }
0x3: {  	_ = 	snop  }
0x4: {  	_ = 	snop  }
0x5: {  	_ = 	snop  }
0x6: {  	_ = 	snop  }
0x7: {  	_ = 	snop  }
__scs_overlays_trampoline_lowered:
0x8: {  	[smem:$0x3FAB] =	sst s0  }
0x9: {  	[smem:$0x3FAC] =	sst s1  }
0xa: {  	[smem:$0x3FAD] =	sst s2  }
0xb: {  	[smem:$0x3FAE] =	sst s3  }
0xc: {  	[smem:$0x3FAF] =	sst s4  }
0xd: {  	[smem:$0x3FB0] =	sst s5  }
0xe: {  	[smem:$0x3FB1] =	sst s6  }
0xf: {  	[smem:$0x3FB2] =	sst s7  }
0x10: {  	[smem:$0x3FB3] =	sst s8  }
0x11: {  	[smem:$0x3FB4] =	sst s9;
	s0 =	simm.s32 @!p0 $0x0  }
0x12: {  	s1 =	sld [smem:$0x3F9A];
	s0 =	simm.s32 @p0 $0x1  }
0x13: {  	[smem:$0x3FB5] =	sst s0;
	s0 =	simm.s32 @!p1 $0x0  }
0x14: {  	s2 =	sld [smem:$0x3F99];
	s0 =	simm.s32 @p1 $0x1  }
0x15: {  	[smem:$0x3FB6] =	sst s0;
	s0 =	simm.s32 @!p2 $0x0  }
0x16: {  	s3 =	sld [smem:$0x3FDB];
	s0 =	simm.s32 @p2 $0x1  }
0x17: {  	s4 =	simm.s32 $0x1BF5;
	[smem:$0x3FB8] =	sst s0  }
0x18: {  	s0 =	sld [smem:$0x3F9B];
	_ =	swait.ge [sflag:s4], $0x0  }
0x19: {  	s7 =	sld [smem:$0x3F9C]  }
0x1a: {  	s8 =	sadd.s32 $0xFFFFE003, lr  }
0x1b: {  	s9 =	sadd.s32 $0xFFFFFEF7, lr;
	s5 =	simm.s32 $0xFFFFFFFF;
	p2 =	slt.u32 s8, $0xFFFFF086  }
0x1c: {  	p1 =	slt.u32 s9, $0xF7A;
	s5 =	simm.s32 @!p2 $0x0  }
0x1d: {  	s5 =	simm.s32 @p1 $0x1;
	p0 =	seq.s32 s7, s2  }
0x1e: {  	s7 =	smul.u32 @!p0 $0xF7A, s2;
	p2 =	seq.s32 @!p0 s5, $0x0  }
0x1f: {  	s9 =	smul.u32 $0xF7A, s1;
	s8 =	simm.s32 @!p0 $0x1BF5;
	p2 =	por !p2, p0  }
0x20: {  	[sflag:s8] =	ssyncset.s32 @!p0 $0xFFFFF086;
	s6 =	sadd.s32 @!p0 s3, s7;
	s7 =	simm.s32 @!p0 $0x108  }
0x21: {  	s3 =	sadd.s32 s3, s9;
	s6 =	sadd.s32 @!p0 $0x88, s6;
	s7 =	simm.s32 @p2 $0x1082  }
0x22: {  	[simem:s7], [sflag:s8] =	dma.local @!p0 [hbm:s6], $0xF7A  }
0x23: {  	s9 =	sor.u32 $0xD0000000, s2;
	s6 =	simm.s32 $0x108;
	_ =	swait.ge @!p0 [sflag:s8], $0x0  }
0x24: {  	s3 =	sadd.s32 $0x88, s3;
	s6 =	simm.s32 @!p1 $0x1082;
	[sflag:s4] =	ssyncset.s32 $0xFFFFF086  }
0x25: {  	[simem:s6], [sflag:s4] =	dma.local [hbm:s3], $0xF7A  }
0x26: {  	[smem:$0x3F9C] =	sst s1;
	(tag) =	ssettag s2;
	_ =	strace s9  }
0x27: {  	s1 =	sld [smem:$0x3FAC]  }
0x28: {  	s2 =	sld [smem:$0x3FAD]  }
0x29: {  	s4 =	sld [smem:$0x3FAF]  }
0x2a: {  	p0 =	seq.s32 s5, $0x0;
	s5 =	sld [smem:$0x3FB0]  }
0x2b: {  	s6 =	sld [smem:$0x3FB1]  }
0x2c: {  	s7 =	sld [smem:$0x3FB2]  }
0x2d: {  	s3 =	simm.s32 $0x108;
	s8 =	sld [smem:$0x3FB3]  }
0x2e: {  	s3 =	simm.s32 @!p0 $0x1082;
	s9 =	sld [smem:$0x3FB4]  }
0x2f: {  	lr =	sadd.s32 s0, s3;
	s0 =	sld [smem:$0x3FAB]  }
0x30: {  	s3 =	sld [smem:$0x3FAE]  }
0x31: {  	[smem:$0x3FB7] =	sst s10  }
0x32: {  	s10 =	sld [smem:$0x3FB5];
	_ =	sdelay $0x3  }
0x33: {  	p0 =	seq.s32 s10, $0x1;
	s10 =	sld [smem:$0x3FB7];
	_ =	sdelay $0x3  }
0x34: {  	[smem:$0x3FB7] =	sst s10  }
0x35: {  	s10 =	sld [smem:$0x3FB6];
	_ =	sdelay $0x3  }
0x36: {  	p1 =	seq.s32 s10, $0x1;
	s10 =	sld [smem:$0x3FB7];
	_ =	sdelay $0x3  }
0x37: {  	[smem:$0x3FB7] =	sst s10  }
0x38: {  	s10 =	sld [smem:$0x3FB8]  }
0x39: {  	_ = 	snop;
	(pc) =	sbr.ind lr, $3  }
0x3a: {  	_ = 	snop  }
0x3b: {  	_ = 	snop  }
0x3c: {  	p2 =	seq.s32 s10, $0x1;
	s10 =	sld [smem:$0x3FB7]  }
0x3d: {  	_ =	shalt  }
0x3e: {  	_ =	shalt  }
0x3f: {  	_ =	shalt  }
0x40: {  	_ =	shalt  }
0x41: {  	_ =	shalt  }
0x42: {  	_ =	shalt  }
0x43: {  	_ =	shalt  }
0x44: {  	_ =	shalt  }
0x45: {  	_ =	shalt  }
0x46: {  	_ =	shalt  }
0x47: {  	_ =	shalt  }
0x48: {  	_ =	shalt  }
0x49: {  	_ =	shalt  }
0x4a: {  	_ =	shalt  }
0x4b: {  	_ =	shalt  }
0x4c: {  	_ =	shalt  }
0x4d: {  	_ =	shalt  }
0x4e: {  	_ =	shalt  }
0x4f: {  	_ =	shalt  }
0x50: {  	_ =	shalt  }
0x51: {  	_ =	shalt  }
0x52: {  	_ =	shalt  }
0x53: {  	_ =	shalt  }
0x54: {  	_ =	shalt  }
0x55: {  	_ =	shalt  }
0x56: {  	_ =	shalt  }
0x57: {  	_ =	shalt  }
0x58: {  	_ =	shalt  }
0x59: {  	_ =	shalt  }
0x5a: {  	_ =	shalt  }
0x5b: {  	_ =	shalt  }
0x5c: {  	_ =	shalt  }
0x5d: {  	_ =	shalt  }
0x5e: {  	_ =	shalt  }
0x5f: {  	_ =	shalt  }
0x60: {  	_ =	shalt  }
0x61: {  	_ =	shalt  }
0x62: {  	_ =	shalt  }
0x63: {  	_ =	shalt  }
0x64: {  	_ =	shalt  }
0x65: {  	_ =	shalt  }
0x66: {  	_ =	shalt  }
0x67: {  	_ =	shalt  }
0x68: {  	_ =	shalt  }
0x69: {  	_ =	shalt  }
0x6a: {  	_ =	shalt  }
0x6b: {  	_ =	shalt  }
0x6c: {  	_ =	shalt  }
0x6d: {  	_ =	shalt  }
0x6e: {  	_ =	shalt  }
0x6f: {  	_ =	shalt  }
0x70: {  	_ =	shalt  }
0x71: {  	_ =	shalt  }
0x72: {  	_ =	shalt  }
0x73: {  	_ =	shalt  }
0x74: {  	_ =	shalt  }
0x75: {  	_ =	shalt  }
0x76: {  	_ =	shalt  }
0x77: {  	_ =	shalt  }
0x78: {  	_ =	shalt  }
0x79: {  	_ =	shalt  }
0x7a: {  	_ =	shalt  }
0x7b: {  	_ =	shalt  }
0x7c: {  	_ =	shalt  }
0x7d: {  	_ =	shalt  }
0x7e: {  	_ =	shalt  }
0x7f: {  	_ =	shalt  }
0x80: {  	_ =	shalt  }
0x81: {  	_ =	shalt  }
0x82: {  	_ =	shalt  }
0x83: {  	_ =	shalt  }
0x84: {  	_ =	shalt  }
0x85: {  	_ =	shalt  }
0x86: {  	_ =	shalt  }
0x87: {  	_ =	shalt  }
.Lfunc_end0:
.L_simem_size_0:
called_computation_lowered:
.L_overlay_start_0:
0x88: {  	s2 =	sld [smem:$0x3FD9]  }
0x89: {  	s3 =	sld [smem:$0x3FFE];
	_ =	sdelay $0x1  }
0x8a: {  	s1 =	srdreg.scid  }
0x8b: {  	s0 =	sand.u32 $0x1, s1  }
0x8c: {  	s17 =	sshll.u32 s0, $0xA;
	s2 =	sadd.s32 s3, s2  }
0x8d: {  	s2 =	sadd.s32 s2, s17  }
0x8e: {  	[smem:$0x3FC3] =	sst s2  }
0x8f: {  	_ = 	snop  }
0x90: {  	s2 =	sld [smem:$0x3FD0];
	(tm) =	ssettm $0x1  }
0x91: {  	s18 =	sld [smem:$0x3FFB];
	_ =	sdelay $0x3  }
0x92: {  	_ =	strace s18  }
0x93: {  	s3 =	sld [smem:$0x3FFC];
	_ =	sdelay $0x3  }
0x94: {  	_ =	strace s3  }
0x95: {  	s3 =	sld [smem:$0x3FFD];
	_ =	sdelay $0x3  }
0x96: {  	_ =	strace s3  }
0x97: {  	_ =	strace $0x8FFFFFFF  }
0x98: {  	s19 =	sld [smem:$0x3FDB];
	_ =	sdelay $0x1  }
0x99: {  	s4 =	simm.s32 $_scs_section_size  }
0x9a: {  	s5 =	simm.s32 $_size__tile_overlayer_lowered;
	s6 =	simm.s32 $_tile_overlayer_lowered  }
0x9b: {  	s22 =	simm.s32 $0x1BFF;
	s21 =	sshll.u32 s6, $0x1;
	s3 =	sadd.s32 s4, s19  }
0x9c: {  	s7 =	simm.s32 $0x0;
	s20 =	sshll.u32 s5, $0x1;
	s5 =	sadd.s32 s21, s3  }
0x9d: {  	[timem:s7], [sflag:s22] =	dma.local [hbm:s5], s20  }
0x9e: {  	_ =	swait.ge [sflag:s22], s20  }
0x9f: {  	s4 =	ssub.s32 $0x0, s20;
	[sflag:s22] =	ssyncset.done $0x0  }
0xa0: {  	[sflag:s22] =	ssyncadd.s32 s4;
	_ =	sdelay $0x1  }
0xa1: {  	s23 =	simm.s32 $0x1B8B  }
0xa2: {  	_ =	swait.ge [sflag:s23], $0x1  }
0xa3: {  	[sflag:s23] =	ssyncset.done $0x0  }
0xa4: {  	s25 =	simm.s32 $0x1B8E;
	s24 =	sld [smem:$0x3FFE];
	[sflag:s23] =	ssyncadd.s32 $0xFFFFFFFF  }
0xa5: {  	s26 =	simm.s32 $execute0_lowered;
	[smem:$0x3FD2] =	sst s25  }
0xa6: {  	s5 =	sshll.u32 s26, $0x1;
	_ =	strace $0x80000046;
	[dreg:$0x1] =	wrdreg $0xFFFFFFFF  }
0xa7: {  	s28 =	simm.s32 $_size_execute0_lowered;
	s3 =	sadd.s32 s3, s5;
	[dreg:$0x0] =	wrdreg $0x0  }
0xa8: {  	s5 =	sshll.u32 s28, $0x1;
	[dreg:$0x2] =	wrdreg s3  }
0xa9: {  	[dreg:$0x3] =	wrdreg s5  }
0xaa: {  	[dreg:$0x4] =	wrdreg $0xC0  }
0xab: {  	_ =	task [dreg:s7], $0x5FFFF  }
0xac: {  	[dreg:$0x1] =	wrdreg $0xFFFFFFFF  }
0xad: {  	[dreg:$0x0] =	wrdreg $0x60  }
0xae: {  	[dreg:$0x2] =	wrdreg s24  }
0xaf: {  	[dreg:$0x3] =	wrdreg s2  }
0xb0: {  	[dreg:$0x4] =	wrdreg $0x9  }
0xb1: {  	_ =	task.clear_ibuf [dreg:s7], $0x5FFFF;
	_ =	strace $0x90000046  }
0xb2: {  	s29 =	simm.s32 $0x9;
	_ =	strace $0x80000048  }
0xb3: {  	_ =	swait.ge [sflag:s29], $0x1  }
0xb4: {  	[sflag:s29] =	ssyncadd.s32 $0xFFFFFFFF  }
0xb5: {  	_ =	strace $0x90000048  }
0xb6: {  	_ =	sfence  }
0xb7: {  	s30 =	sld [smem:$0x0];
	_ =	sdelay $0x2  }
0xb8: {  	s31 =	sshll.u32 s1, $0xD;
	s1 =	sshrl.u32 s1, $0x2  }
0xb9: {  	s3 =	sand.u32 $0x4000, s31;
	s1 =	sadd.s32 s1, s30  }
0xba: {  	s0 =	sor.u32 s3, s0;
	s1 =	sshll.u32 s1, $0x11  }
0xbb: {  	s0 =	sor.u32 s1, s0  }
0xbc: {  	s0 =	sadd.s32 $0x8F2B, s0  }
0xbd: {  	[sflag:s0] =	ssyncadd.remote.s32 $0x1  }
0xbe: {  	_ =	sfence.sel $0xFFFF  }
0xbf: {  	[dreg:$0x0] =	wrdreg $0xFFFFFFFF;
	(pc) =	sbr.abs _section_cstart, $3  }
0xc0: {  	[dreg:$0x1] =	wrdreg $0xFFFFFFFF  }
0xc1: {  	_ =	task.clear_ibuf [dreg:s7], $0x2FFFF;
	_ =	strace $0x9FFFFFFF  }
0xc2: {  	(tm) =	ssettm $0x7FFFFFFF  }
0xc3: {  	_ =	shalt  }
tec
execute0_lowered:
.L_overlay_start_1:
0x0: {  	(tag) =	ssettag $0x1  }
0x1: {  	s5 =	rddreg [dreg:$0x0];
	s1 =	srdreg.scid  }
0x2: {  	s0 =	stileid.u32;
	s8 =	rddreg [dreg:$0x1];
	s2 =	simm.s32 $0x0  }
0x3: {  	s12 =	simm.s32 $0xF700;
	s13 =	simm.s32 $0x80;
	s14 =	simm.s32 $0x1  }
0x4: {  	s15 =	simm.s32 $0x2;
	s16 =	simm.s32 $0xEA00;
	s17 =	simm.s32 $0xF710  }
0x5: {  	s18 =	simm.s32 $0x0;
	s4 =	sand.u32 $0x1, s1;
	s3 =	sshll.u32 s0, $0x1  }
0x6: {  	[smem:$0x7FF] =	sst s2;
	s7 =	sor.u32 s4, s3;
	s6 =	ssub.s32 $0x2, s4  }
0x7: {  	_ =	strace $0x80000047;
	s3 =	smul.u32 $0x1A0, s7;
	s10 =	sshrl.u32 s6, $0x1  }
0x8: {  	s4 =	sadd.s32 $0xF42A00, s5;
	s11 =	sshll.u32 s7, $0x4;
	s10 =	ssub.s32 s6, s10  }
0x9: {  	s8 =	sadd.s32 s8, s11;
	s11 =	simm.s32 $0xD00;
	s9 =	sadd.s32 s3, s5  }
0xa: {  	v1 =	vimm.f32 $1.000000000e+00;
	vm0 =	vcmask $0x1700;
	s3 =	sadd.s32 $0x6E00, s5;
	s5 =	sadd.s32 $0x25800, s5;
	s6 =	sadd.s32 $0x3A00, s9  }
0xb: {  	v0 =	vlaneseq.u32;
	v1 =	vsel vm0, $0x0, v1;
	s7 =	sadd.s32 $0x600, s9;
	s9 =	smax.u32 s10, $0x1;
	s10 =	simm.s32 $0x3  }
.LBB2_1:
0xc: {  	[tilespmem:s2], [sflag:$0x3] =	stream.linear.gather [hbm4b:s6+s2], $0xD00, $0x38;
	[tilespmem:$0xF790] =	vst v63  }
0xd: {  	_ =	swait.ge [sflag:s10], $0xD00  }
0xe: {  	[sflag:s10] =	ssyncset.done $0x0  }
0xf: {  	[sflag:s10] =	ssyncadd.s32 $0xFFFFF300  }
0x10: {  	[tilespmem:s11], [sflag:$0x3] =	stream.linear.gather [hbm4b:s7+s2], $0xD00, $0x38;
	[tilespmem:$0xF790] =	vst v63  }
0x11: {  	_ =	swait.ge [sflag:s10], $0xD00  }
0x12: {  	[sflag:s10] =	ssyncset.done $0x0  }
0x13: {  	[sflag:s10] =	ssyncadd.s32 $0xFFFFF300  }
0x14: {  	[tilespmem:s12], [sflag:$0x3] =	stream.linear.gather [hbm4b:s5+s2], $0x10, $0x38;
	[tilespmem:$0xF790] =	vst v63  }
0x15: {  	_ =	swait.ge [sflag:s10], $0x10  }
0x16: {  	[sflag:s10] =	ssyncset.done $0x0  }
0x17: {  	s19 =	simm.s32 $0x1A00;
	s20 =	simm.s32 $0x0;
	[sflag:s10] =	ssyncadd.s32 $0xFFFFFFF0  }
0x18: {  	[tilespmem:s19], [sflag:$0x1] =	stream.indirect.gather [hbm4b:s4+s13], $0x10, s20, s13, $0xb8;
	[tilespmem:$0xF790] =	vst v63  }
0x19: {  	s31 =	simm.s32 $0xEA00  }
0x1a: {  	[tilespmem:s31], [sflag:$0x2] =	stream.indirect.gather [hbm4b:s3+s13], $0x1, s20, s13, $0xb8;
	[tilespmem:$0xF790] =	vst v63  }
0x1b: {  	_ =	swait.ge [sflag:s14], $0x800  }
0x1c: {  	[sflag:s14] =	ssyncset.done $0x0  }
0x1d: {  	[sflag:s14] =	ssyncadd.s32 $0xFFFFF800  }
0x1e: {  	s21 =	simm.s32 $0x400;
	_ =	swait.ge [sflag:s15], $0x80  }
0x1f: {  	s19 =	simm.s32 $0x200;
	s20 =	simm.s32 $0x2200;
	[sflag:s15] =	ssyncset.done $0x0  }
.LBB2_2:
0x20: {  	s22 =	sshra.s32 s19, $0x2  }
0x21: {  	[sflag:s15] =	ssyncadd.s32 $0xFFFFFF80;
	s19 =	smov.u32 s21;
	s23 =	sadd.s32 $0x200, s21  }
0x22: {  	[tilespmem:s20], [sflag:$0x1] =	stream.indirect.gather [hbm4b:s4+s13], $0x10, s22, s13, $0xb8;
	[tilespmem:$0xF790] =	vst v63  }
0x23: {  	p0 =	sne.s32 s21, $0x3200;
	s21 =	sadd.s32 $0xEA00, s22  }
0x24: {  	[tilespmem:s21], [sflag:$0x2] =	stream.indirect.gather [hbm4b:s3+s13], $0x1, s22, s13, $0xb8;
	[tilespmem:$0xF790] =	vst v63  }
.Ltmp0:
0x25: {  	_ =	swait.ge [sflag:s14], $0x800;
	(pc) =	sbr.rel @p0 .LBB2_2-.Ltmp0, $4  }
0x26: {  	[sflag:s14] =	ssyncset.done $0x0  }
0x27: {  	[sflag:s14] =	ssyncadd.s32 $0xFFFFF800  }
0x28: {  	_ =	swait.ge [sflag:s15], $0x80  }
0x29: {  	s20 =	sadd.s32 $0x800, s20;
	s21 =	smov.u32 s23;
	[sflag:s15] =	ssyncset.done $0x0  }
0x2a: {  	s19 =	sshra.s32 s19, $0x2;
	[sflag:s15] =	ssyncadd.s32 $0xFFFFFF80  }
0x2b: {  	[tilespmem:s20], [sflag:$0x1] =	stream.indirect.gather [hbm4b:s4+s13], $0x10, s19, s13, $0xb8;
	[tilespmem:$0xF790] =	vst v63  }
0x2c: {  	s31 =	sadd.s32 $0xEA00, s19  }
0x2d: {  	[tilespmem:s31], [sflag:$0x2] =	stream.indirect.gather [hbm4b:s3+s13], $0x1, s19, s13, $0xb8;
	[tilespmem:$0xF790] =	vst v63  }
0x2e: {  	_ =	swait.ge [sflag:s14], $0x800  }
0x2f: {  	[sflag:s14] =	ssyncset.done $0x0  }
0x30: {  	[sflag:s14] =	ssyncadd.s32 $0xFFFFF800  }
0x31: {  	_ =	swait.ge [sflag:s15], $0x80  }
0x32: {  	[sflag:s15] =	ssyncset.done $0x0  }
0x33: {  	s21 =	simm.s32 $0x0;
	[sflag:s15] =	ssyncadd.s32 $0xFFFFFF80  }
0x34: {  	s22 =	simm.s32 $0x0;
	s20 =	simm.s32 $0x1AD0;
	s19 =	simm.s32 $0x0;
	v2 =	vld [tilespmem:$0xF700]  }
.LBB2_4:
0x35: {  	s23 =	sadd.s32 $0xA, s21  }
0x36: {  	v3 =	vadd.s32 s23, v0;
	_ =	sdelay $0x4  }
0x37: {  	v4 =	vld.idx.msk [tilespmem:v3+s11+$0x0], $0xffff  }
0x38: {  	v3 =	vld.idx.msk [tilespmem:v3+s16+$0x0], $0xffff;
	_ =	sdelay $0x2  }
0x39: {  	v5 =	vld [tilespmem:s20+$0x30]  }
0x3a: {  	v7 =	vadd.s32 s21, v0;
	v50 =	vld [tilespmem:s20+$0x80];
	v6 =	vbroadcast v4, $0x6  }
0x3b: {  	v43 =	vld [tilespmem:s20+$0xC0];
	v3 =	vmul.f32 v3, v4;
	v8 =	vbroadcast v4, $0x7  }
0x3c: {  	v45 =	vld [tilespmem:s20+$0xB0];
	v9 =	vbroadcast v4, $0x8;
	v10 =	vbroadcast v4, $0x9  }
0x3d: {  	v44 =	vld [tilespmem:s20+$0x90];
	v16 =	vbroadcast v4, $0xE;
	v22 =	vbroadcast v4, $0xA  }
0x3e: {  	v21 =	vbroadcast v4, $0xB;
	v19 =	vbroadcast v4, $0xF  }
0x3f: {  	v20 =	vbroadcast v4, $0xC;
	v12 =	vmul.f32 v5, v6;
	v5 =	vld.idx.msk [tilespmem:v7+s11+$0x0], $0xffff  }
0x40: {  	v18 =	vbroadcast v4, $0xD;
	v6 =	vmul.f32 v1, v3  }
0x41: {  	v21 =	vmul.f32 v50, v21;
	v16 =	vmul.f32 v45, v16  }
0x42: {  	v19 =	vmul.f32 v43, v19;
	v20 =	vmul.f32 v44, v20  }
0x43: {  	v15 =	vmul.f32 v12, v12;
	v45 =	vmul.f32 v16, v16  }
0x44: {  	v11 =	vld [tilespmem:s20+$0xFFFFFF40];
	v44 =	vmul.f32 v19, v19;
	v13 =	vbroadcast v5, $0x0  }
0x45: {  	v3 =	vld [tilespmem:s20+$0xFFFFFF30];
	v17 =	vbroadcast v5, $0xF;
	v14 =	vbroadcast v5, $0x2  }
0x46: {  	v4 =	vld [tilespmem:s20+$0xFFFFFF50];
	v23 =	vbroadcast v5, $0x1;
	v24 =	vbroadcast v5, $0x8  }
0x47: {  	v26 =	vbroadcast v5, $0xD;
	v30 =	vbroadcast v5, $0x5  }
0x48: {  	v25 =	vld [tilespmem:s20+$0xFFFFFF60];
	v31 =	vbroadcast v5, $0x4;
	v34 =	vbroadcast v5, $0x6  }
0x49: {  	v27 =	vld [tilespmem:s20+$0xFFFFFF70];
	v54 =	vbroadcast v5, $0x9;
	v55 =	vbroadcast v5, $0xA  }
0x4a: {  	v7 =	vld.idx.msk [tilespmem:v7+s16+$0x0], $0xffff;
	v13 =	vmul.f32 v3, v13;
	v11 =	vmul.f32 v11, v23  }
0x4b: {  	v28 =	vld [tilespmem:s20+$0xFFFFFF80];
	v4 =	vmul.f32 v4, v14;
	v23 =	vbroadcast v5, $0x3  }
0x4c: {  	v32 =	vld [tilespmem:s20+$0xFFFFFF90];
	v14 =	vmul.f32 v13, v13;
	v29 =	vmul.f32 v11, v11  }
0x4d: {  	v39 =	vld [tilespmem:s20+$0x10];
	v58 =	vbroadcast v5, $0xC;
	v40 =	vbroadcast v5, $0xE  }
0x4e: {  	v57 =	vld [tilespmem:s20+$0x0];
	v33 =	vmul.f32 v4, v4;
	v23 =	vmul.f32 v25, v23;
	v14 =	vadd.f32 v29, v14  }
0x4f: {  	v48 =	vmul.f32 v7, v5;
	v27 =	vmul.f32 v27, v31;
	v13 =	vadd.f32 $0.0e+00, v13  }
0x50: {  	s24 =	sadd.s32 $0x1A, s21;
	v31 =	vbroadcast v5, $0x7;
	v25 =	vld [tilespmem:s20+$0xFFFFFFA0];
	v35 =	vmul.f32 v23, v23;
	v14 =	vadd.f32 v33, v14  }
0x51: {  	v53 =	vld [tilespmem:s20+$0xFFFFFFC0];
	s30 =	sadd.s32 $0xA, s24;
	v28 =	vmul.f32 v28, v30;
	v32 =	vmul.f32 v32, v34;
	v11 =	vadd.f32 v11, v13  }
0x52: {  	v36 =	vld [tilespmem:s20+$0xFFFFFFB0];
	v30 =	vmul.f32 v27, v27;
	v29 =	vadd.s32 s30, v0;
	v14 =	vadd.f32 v35, v14  }
0x53: {  	v37 =	vld [tilespmem:s20+$0xFFFFFFD0];
	v39 =	vmul.f32 v39, v40;
	v26 =	vmul.f32 v57, v26;
	v4 =	vadd.f32 v4, v11  }
0x54: {  	v61 =	vld [tilespmem:s20+$0x50];
	v38 =	vmul.f32 v32, v32;
	v13 =	vmul.f32 v28, v28;
	v14 =	vadd.f32 v30, v14  }
0x55: {  	v63 =	vmul.f32 v39, v39;
	v25 =	vmul.f32 v25, v31;
	v31 =	vld [tilespmem:s20+$0xFFFFFFE0];
	v4 =	vadd.f32 v23, v4  }
0x56: {  	v42 =	vmul.f32 v26, v26;
	v33 =	vmul.f32 v53, v54;
	v53 =	vld [tilespmem:s20+$0xA0];
	v13 =	vadd.f32 v13, v14  }
0x57: {  	v11 =	vmul.f32 v36, v24;
	v24 =	vbroadcast v5, $0xB;
	v59 =	vld.idx.msk [tilespmem:v29+s11+$0x0], $0xffff;
	v4 =	vadd.f32 v27, v4  }
0x58: {  	v49 =	vld [tilespmem:s20+$0x70];
	v23 =	vmul.f32 v37, v55;
	v56 =	vmul.f32 v25, v25;
	v13 =	vadd.f32 v38, v13  }
0x59: {  	s31 =	sadd.s32 $0x1A0, s20;
	v37 =	vmul.f32 v20, v20;
	v30 =	vld [tilespmem:s20+$0xFFFFFFF0];
	v27 =	vmul.f32 v33, v33;
	v4 =	vadd.f32 v28, v4  }
0x5a: {  	v60 =	vld [tilespmem:s31+$0x30];
	v14 =	vmul.f32 v11, v11;
	v24 =	vmul.f32 v31, v24;
	v13 =	vadd.f32 v56, v13  }
0x5b: {  	v29 =	vld.idx.msk [tilespmem:v29+s16+$0x0], $0xffff;
	v18 =	vmul.f32 v53, v18;
	v31 =	vmul.f32 v23, v23;
	v4 =	vadd.f32 v32, v4  }
0x5c: {  	v7 =	vld [tilespmem:s20+$0x40];
	v62 =	vmul.f32 v24, v24;
	v5 =	vbroadcast v59, $0x6;
	v13 =	vadd.f32 v14, v13  }
0x5d: {  	v32 =	vmul.f32 v49, v22;
	v22 =	vadd.f32 v6, v48;
	v25 =	vadd.f32 v25, v4  }
0x5e: {  	v6 =	vbroadcast v59, $0xD;
	v30 =	vmul.f32 v30, v58;
	v13 =	vadd.f32 v27, v13  }
0x5f: {  	v4 =	vmul.f32 v60, v5;
	v54 =	vmul.f32 v32, v32;
	v11 =	vadd.f32 v11, v25  }
0x60: {  	v47 =	vld [tilespmem:s20+$0x20];
	v27 =	vmul.f32 v29, v59;
	v29 =	vmul.f32 v61, v9;
	v9 =	vadd.f32 v31, v13  }
0x61: {  	v31 =	vmul.f32 v7, v8;
	v8 =	vadd.f32 v33, v11;
	v33 =	vadd.s32 s24, v0  }
0x62: {  	v56 =	vmul.f32 v21, v21;
	v41 =	vmul.f32 v30, v30;
	v25 =	vld [tilespmem:s20+$0x60]  }
0x63: {  	v3 =	vimm.f32 $0.0e+00;
	v14 =	vbroadcast v59, $0x7;
	v5 =	vmul.f32 v4, v4  }
0x64: {  	v28 =	vmul.f32 v1, v27;
	v13 =	vbroadcast v59, $0x8;
	v23 =	vadd.f32 v23, v8  }
0x65: {  	v27 =	vmul.f32 v47, v17;
	v17 =	vbroadcast v59, $0x9;
	v9 =	vadd.f32 v62, v9  }
0x66: {  	v7 =	vbroadcast v59, $0xE;
	v11 =	vbroadcast v59, $0xA;
	v23 =	vadd.f32 v24, v23;
	v46 =	vld.idx.msk [tilespmem:v33+s11+$0x0], $0xffff  }
0x67: {  	v25 =	vmul.f32 v25, v10;
	v10 =	vbroadcast v59, $0xC;
	v41 =	vadd.f32 v41, v9  }
0x68: {  	v51 =	vmul.f32 v27, v27;
	v52 =	vmul.f32 v31, v31;
	v23 =	vadd.f32 v30, v23  }
0x69: {  	v8 =	vbroadcast v59, $0xB;
	v9 =	vbroadcast v59, $0xF;
	v41 =	vadd.f32 v42, v41  }
0x6a: {  	v55 =	vld [tilespmem:s31+$0xFFFFFF30];
	v24 =	vmul.f32 v29, v29;
	v30 =	vmul.f32 v25, v25;
	v23 =	vadd.f32 v26, v23  }
0x6b: {  	v48 =	vld [tilespmem:s31+$0xFFFFFF80];
	v34 =	vadd.f32 v63, v41;
	v41 =	vmul.f32 v18, v18;
	v57 =	vbroadcast v46, $0x0  }
0x6c: {  	s26 =	sadd.s32 $0x1A, s24;
	v63 =	vld [tilespmem:s31+$0xFFFFFF90];
	v23 =	vadd.f32 v39, v23;
	v39 =	vbroadcast v46, $0xF;
	v58 =	vbroadcast v46, $0x2  }
0x6d: {  	s24 =	sadd.s32 $0xA, s26;
	v34 =	vadd.f32 v51, v34;
	v43 =	vbroadcast v46, $0x8;
	v61 =	vbroadcast v46, $0x5  }
0x6e: {  	v35 =	vadd.s32 s24, v0;
	v26 =	vld [tilespmem:s31+$0xFFFFFF50];
	v62 =	vbroadcast v46, $0x6;
	v47 =	vbroadcast v46, $0x4  }
0x6f: {  	v59 =	vld [tilespmem:s31+$0xFFFFFF40];
	v49 =	vbroadcast v46, $0x1;
	v15 =	vadd.f32 v15, v34;
	v34 =	vmul.f32 v55, v57  }
0x70: {  	v23 =	vadd.f32 v27, v23;
	v27 =	vbroadcast v46, $0xD;
	v55 =	vmul.f32 v48, v61;
	v57 =	vld [tilespmem:s31+$0xFFFFFFB0]  }
0x71: {  	v40 =	vmul.f32 v63, v62;
	v62 =	vbroadcast v46, $0xB;
	v15 =	vadd.f32 v52, v15  }
0x72: {  	v60 =	vld [tilespmem:s31+$0xFFFFFF60];
	v12 =	vadd.f32 v12, v23;
	v23 =	vmul.f32 v34, v34;
	v34 =	vadd.f32 $0.0e+00, v34  }
0x73: {  	v52 =	vbroadcast v46, $0x7;
	v15 =	vadd.f32 v24, v15;
	v24 =	vmul.f32 v26, v58  }
0x74: {  	v26 =	vld [tilespmem:s31+$0xFFFFFF70];
	v12 =	vadd.f32 v31, v12;
	v31 =	vmul.f32 v59, v49;
	v58 =	vbroadcast v46, $0x9  }
0x75: {  	v43 =	vmul.f32 v57, v43;
	v15 =	vadd.f32 v30, v15;
	v30 =	vbroadcast v46, $0x3  }
0x76: {  	v12 =	vadd.f32 v29, v12;
	v29 =	vmul.f32 v31, v31;
	v31 =	vadd.f32 v31, v34;
	v34 =	vld.idx.msk [tilespmem:v35+s11+$0x0], $0xffff  }
0x77: {  	v50 =	vmul.f32 v24, v24;
	v15 =	vadd.f32 v54, v15;
	v30 =	vmul.f32 v60, v30;
	v54 =	vld [tilespmem:s31+$0xFFFFFFA0]  }
0x78: {  	v23 =	vadd.f32 v29, v23;
	v24 =	vadd.f32 v24, v31;
	v29 =	vmul.f32 v55, v55;
	v31 =	vld [tilespmem:s31+$0xFFFFFFC0]  }
0x79: {  	v12 =	vadd.f32 v25, v12;
	v25 =	vbroadcast v46, $0xA;
	v60 =	vld [tilespmem:s31+$0xFFFFFFD0];
	v26 =	vmul.f32 v26, v47  }
0x7a: {  	v53 =	vmul.f32 v30, v30;
	v15 =	vadd.f32 v56, v15;
	v23 =	vadd.f32 v50, v23  }
0x7b: {  	v24 =	vadd.f32 v30, v24;
	v30 =	vmul.f32 v40, v40;
	v12 =	vadd.f32 v32, v12  }
0x7c: {  	v56 =	vmul.f32 v26, v26;
	v32 =	vbroadcast v34, $0xF;
	v15 =	vadd.f32 v37, v15  }
0x7d: {  	v23 =	vadd.f32 v53, v23;
	v24 =	vadd.f32 v26, v24;
	v59 =	vmul.f32 v54, v52  }
0x7e: {  	v26 =	vld [tilespmem:s31+$0xFFFFFFE0];
	v12 =	vadd.f32 v21, v12;
	v42 =	vmul.f32 v31, v58;
	v38 =	vmul.f32 v60, v25  }
0x7f: {  	v52 =	vld [tilespmem:s31+$0xFFFFFFF0];
	v25 =	vbroadcast v46, $0xC;
	v21 =	vadd.f32 v56, v23;
	v15 =	vadd.f32 v41, v15  }
0x80: {  	v31 =	vld [tilespmem:s31+$0x10];
	v23 =	vadd.f32 v55, v24;
	v24 =	vmul.f32 v43, v43;
	v12 =	vadd.f32 v20, v12  }
0x81: {  	v53 =	vld.idx.msk [tilespmem:v33+s16+$0x0], $0xffff;
	v63 =	vmul.f32 v59, v59;
	v55 =	vmul.f32 v38, v38;
	v21 =	vadd.f32 v29, v21  }
0x82: {  	v29 =	vld [tilespmem:s31+$0x0];
	v20 =	vadd.f32 v40, v23;
	v23 =	vmul.f32 v42, v42;
	v12 =	vadd.f32 v18, v12  }
0x83: {  	v18 =	vld.idx.msk [tilespmem:v35+s16+$0x0], $0xffff;
	v54 =	vmul.f32 v26, v62;
	v26 =	vbroadcast v46, $0xE;
	v21 =	vadd.f32 v30, v21  }
0x84: {  	(xrf2) =	vadd.scan.msk.f32 $0xffff, v22;
	v61 =	vld [tilespmem:s31+$0x50];
	v22 =	vadd.f32 v45, v15;
	v15 =	vbroadcast v34, $0x8;
	v57 =	vmul.f32 v52, v25  }
0x85: {  	v20 =	vadd.f32 v59, v20;
	v26 =	vmul.f32 v31, v26;
	v21 =	vadd.f32 v63, v21  }
0x86: {  	v12 =	vadd.f32 v16, v12;
	v25 =	vld [tilespmem:s31+$0x20];
	v16 =	vmul.f32 v54, v54;
	v36 =	vmul.f32 v57, v57  }
0x87: {  	s25 =	sadd.s32 $0x1A0, s31;
	v30 =	vmul.f32 v29, v27;
	v33 =	vmul.f32 v26, v26;
	v21 =	vadd.f32 v24, v21  }
0x88: {  	v56 =	vld [tilespmem:s25+$0x30];
	v20 =	vadd.f32 v43, v20;
	v29 =	vmul.f32 v53, v46;
	v27 =	vmul.f32 v18, v34  }
0x89: {  	v18 =	vmul.f32 v61, v13;
	v13 =	vbroadcast v34, $0x7;
	v21 =	vadd.f32 v23, v21  }
0x8a: {  	v61 =	vadd.f32 v44, v22;
	v24 =	vbroadcast v34, $0x6;
	v59 =	vmul.f32 v30, v30  }
0x8b: {  	v58 =	vld [tilespmem:s31+$0x40];
	v31 =	vmul.f32 v25, v39;
	v23 =	vadd.f32 v19, v12;
	v12 =	vadd.f32 v55, v21  }
0x8c: {  	v20 =	vadd.f32 v42, v20;
	v25 =	vbroadcast v34, $0xE;
	v37 =	vmul.f32 v18, v18  }
0x8d: {  	v60 =	vld [tilespmem:s31+$0x60];
	v24 =	vmul.f32 v56, v24;
	v19 =	vmul.f32 v1, v27;
	v16 =	vadd.f32 v16, v12  }
0x8e: {  	v47 =	vld [tilespmem:s31+$0x80];
	v20 =	vadd.f32 v38, v20;
	v38 =	vbroadcast v34, $0xC;
	v41 =	vmul.f32 v31, v31  }
0x8f: {  	v62 =	vld [tilespmem:s31+$0x70];
	v27 =	vmul.f32 v24, v24;
	v22 =	vadd.f32 v36, v16;
	v16 =	vadd.s32 s26, v0  }
0x90: {  	v45 =	vld [tilespmem:s31+$0xC0];
	v29 =	vadd.f32 v28, v29;
	v21 =	vmul.f32 v58, v14;
	v23 =	vmul.f32 v23, v23  }
0x91: {  	v40 =	vld [tilespmem:s31+$0xA0];
	v14 =	vbroadcast v34, $0xA;
	v63 =	vadd.f32 v54, v20;
	v12 =	vbroadcast v34, $0x9  }
0x92: {  	v43 =	vld [tilespmem:s31+$0xB0];
	v42 =	vadd.f32 v59, v22;
	v22 =	vmul.f32 v60, v17;
	v17 =	vsub.f32 v23, v61  }
0x93: {  	s28 =	simm.s32 $0x3;
	s23 =	simm.s32 $0x2;
	v46 =	vld [tilespmem:s31+$0x90];
	v35 =	vmul.f32 v21, v21;
	v44 =	vadd.f32 v57, v63;
	v36 =	vbroadcast v34, $0xB  }
0x94: {  	s29 =	sadd.s32 $0x1A, s26;
	s24 =	simm.s32 $0x1;
	v20 =	vmov s19;
	s26 =	smov.u32 s25;
	v23 =	vmul.f32 v62, v11;
	v11, _, _ =	vpop (xrf2);
	(xrf2) =	vadd.scan.msk.f32 $0xffff, v17;
	v39 =	vmul.f32 v22, v22;
	v17 =	vld.idx.msk [tilespmem:v16+s11+$0x0], $0xffff  }
.LBB2_5:
0x95: {  	s31 =	sadd.s32 $0xA, s29;
	v42 =	vadd.f32 v33, v42  }
0x96: {  	p0 =	sne.s32 s28, $0xF;
	v48 =	vmul.f32 v23, v23;
	v47 =	vmul.f32 v47, v8;
	v28 =	vmovc v19;
	v8 =	vmov v36;
	s30 =	smov.u32 s28;
	s28 =	sadd.s32 $0x1, s28  }
0x97: {  	v33 =	vadd.s32 s31, v0;
	v30 =	vadd.f32 v30, v44;
	v19 =	vmul.f32 v45, v9;
	v9 =	vmovc v32  }
0x98: {  	v34 =	vbroadcast v34, $0xD;
	v36 =	vld [tilespmem:s25+$0xFFFFFF30];
	v41 =	vadd.f32 v41, v42;
	v42 =	vmul.f32 v46, v10;
	v10 =	vmovc v38  }
0x99: {  	v38 =	vmul.f32 v47, v47;
	v32 =	vld [tilespmem:s25+$0x50];
	v26 =	vadd.f32 v26, v30;
	v30 =	vmul.f32 v43, v7;
	v7 =	vmovc v25  }
0x9a: {  	v40 =	vmul.f32 v40, v6;
	v6 =	vmovc v34;
	v43 =	vld [tilespmem:s25+$0xFFFFFF50];
	v41 =	vadd.f32 v5, v41;
	v44 =	vmul.f32 v42, v42  }
0x9b: {  	v34 =	vbroadcast v17, $0x0;
	v25 =	vbroadcast v17, $0xF;
	v5 =	vmovc v27;
	v26 =	vadd.f32 v31, v26  }
0x9c: {  	v45 =	vbroadcast v17, $0x8;
	v31 =	vbroadcast v17, $0x2;
	v27 =	vadd.f32 v35, v41;
	(xrf2) =	vadd.scan.msk.f32 $0xffff, v29  }
0x9d: {  	v35 =	vbroadcast v17, $0xD;
	v29 =	vmul.f32 v36, v34;
	v34 =	vld [tilespmem:s25+$0xFFFFFF40];
	v26 =	vadd.f32 v4, v26;
	v4 =	vmovc v24  }
0x9e: {  	v36 =	vbroadcast v17, $0x5;
	v24 =	vld [tilespmem:s25+$0xFFFFFF60];
	v37 =	vadd.f32 v37, v27;
	v27 =	vmul.f32 v30, v30;
	v41, _, _ =	vpop (xrf2)  }
0x9f: {  	vm0 =	veq.s32 v20, v0;
	v46 =	vadd.f32 $0.0e+00, v29;
	v31 =	vmul.f32 v43, v31;
	v43 =	vld [tilespmem:s25+$0xFFFFFF70]  }
0xa0: {  	v20 =	vmul.f32 v29, v29;
	v29 =	vbroadcast v17, $0x6;
	v37 =	vadd.f32 v39, v37  }
0xa1: {  	v49 =	vbroadcast v17, $0x4;
	v39 =	vbroadcast v17, $0x3;
	v50 =	vld [tilespmem:s25+$0xFFFFFF80];
	(v2sf) =	vpush v41, $0xF  }
0xa2: {  	v41 =	vbroadcast v17, $0x1;
	v51 =	vmul.f32 v31, v31;
	v37 =	vadd.f32 v48, v37  }
0xa3: {  	v48 =	vmul.f32 v40, v40;
	v24 =	vmul.f32 v24, v39;
	v39 =	vld [tilespmem:s25+$0xFFFFFF90];
	(v2sf) =	vpush v11, $0xF  }
0xa4: {  	v52 =	vadd.f32 v21, v26;
	v43 =	vmul.f32 v43, v49;
	v49 =	vbroadcast v17, $0x7  }
0xa5: {  	v21 =	vmul.f32 v34, v41;
	v37 =	vadd.f32 v38, v37;
	v26 =	vmul.f32 v24, v24;
	v34 =	vld [tilespmem:s25+$0xFFFFFFA0]  }
0xa6: {  	v18 =	vadd.f32 v18, v52;
	v38 =	vmul.f32 v19, v19;
	v36 =	vmul.f32 v50, v36;
	v11, _, _ =	vpop (xrf2)  }
0xa7: {  	v41 =	vadd.f32 v21, v46;
	v21 =	vmul.f32 v21, v21;
	v46 =	vmul.f32 v43, v43;
	v50 =	vld [tilespmem:s25+$0xFFFFFFB0]  }
0xa8: {  	v37 =	vadd.f32 v44, v37;
	v29 =	vmul.f32 v39, v29;
	v39 =	vbroadcast v17, $0x9  }
0xa9: {  	v20 =	vadd.f32 v21, v20;
	v21 =	vadd.f32 v31, v41;
	v31 =	vmul.f32 v36, v36;
	v41 =	vld [tilespmem:s25+$0xFFFFFFC0]  }
0xaa: {  	v18 =	vadd.f32 v22, v18;
	v44 =	vmul.f32 v34, v49;
	v34 =	vbroadcast v17, $0xA  }
0xab: {  	v20 =	vadd.f32 v51, v20;
	v21 =	vadd.f32 v24, v21;
	v22 =	vmul.f32 v29, v29;
	v24 =	vld [tilespmem:s25+$0xFFFFFFD0]  }
0xac: {  	v18 =	vadd.f32 v23, v18;
	v49 =	vbroadcast v17, $0xB;
	v45 =	vmul.f32 v50, v45  }
0xad: {  	v20 =	vadd.f32 v26, v20;
	v21 =	vadd.f32 v43, v21;
	v23 =	vmul.f32 v44, v44;
	v26 =	vld [tilespmem:s25+$0xFFFFFFE0]  }
0xae: {  	v18 =	vadd.f32 v47, v18;
	v37 =	vadd.f32 v48, v37;
	v39 =	vmul.f32 v41, v39;
	v41 =	vld [tilespmem:s25+$0x10]  }
0xaf: {  	v20 =	vadd.f32 v46, v20;
	v21 =	vadd.f32 v36, v21;
	v36 =	vmul.f32 v45, v45;
	v43 =	vld [tilespmem:s25+$0xFFFFFFF0]  }
0xb0: {  	v18 =	vadd.f32 v42, v18;
	v16 =	vld.idx.msk [tilespmem:v16+s16+$0x0], $0xffff;
	v46 =	vmul.f32 v24, v34;
	v24 =	vbroadcast v17, $0xC;
	s31 =	spop (v2sf)  }
0xb1: {  	v20 =	vadd.f32 v31, v20;
	v21 =	vadd.f32 v29, v21;
	v29 =	vmul.f32 v39, v39;
	v31 =	vld [tilespmem:s25+$0x0]  }
0xb2: {  	v18 =	vadd.f32 v40, v18;
	s31 =	smul.f32 $5.000000000e-01, s31;
	v34 =	vld.idx.msk [tilespmem:v33+s11+$0x0], $0xffff;
	v48 =	vmul.f32 v26, v49;
	v26 =	vbroadcast v17, $0xE;
	s1 =	spop (v2sf)  }
0xb3: {  	v20 =	vadd.f32 v22, v20;
	v21 =	vadd.f32 v44, v21;
	s25 =	sadd.s32 $0x1A0, s25;
	v22 =	vmul.f32 v46, v46;
	v40 =	vld.idx.msk [tilespmem:v33+s16+$0x0], $0xffff  }
0xb4: {  	v18 =	vadd.f32 v30, v18;
	s1 =	sadd.f32 s31, s1;
	v42 =	vld [tilespmem:s25+$0x30];
	v44 =	vmul.f32 v43, v24;
	v26 =	vmul.f32 v41, v26  }
0xb5: {  	v20 =	vadd.f32 v23, v20;
	v23 =	vadd.f32 v45, v21;
	v21 =	vmul.f32 v48, v48;
	v41 =	vld [tilespmem:s26+$0x20]  }
0xb6: {  	v3 =	vsel vm0, s1, v3;
	v30 =	vmul.f32 v31, v35;
	v33 =	vmul.f32 v26, v26  }
0xb7: {  	v49 =	vmul.f32 v16, v17;
	v16 =	vadd.f32 v36, v20;
	v17 =	vmul.f32 v44, v44  }
0xb8: {  	v43 =	vadd.f32 v19, v18;
	v20 =	vbroadcast v34, $0x6;
	v35 =	vmul.f32 v30, v30;
	v36 =	vld [tilespmem:s26+$0x40]  }
0xb9: {  	v18 =	vmul.f32 v32, v15;
	v16 =	vadd.f32 v29, v16;
	v19 =	vmul.f32 v40, v34  }
0xba: {  	v24 =	vmul.f32 v42, v20;
	v20 =	vbroadcast v34, $0x7  }
0xbb: {  	v16 =	vadd.f32 v22, v16;
	v22 =	vadd.f32 v27, v37;
	v19 =	vmul.f32 v1, v19  }
0xbc: {  	v15 =	vbroadcast v34, $0x8;
	v27 =	vmul.f32 v24, v24  }
0xbd: {  	v31 =	vmul.f32 v41, v25;
	v16 =	vadd.f32 v21, v16;
	v21 =	vmul.f32 v36, v13;
	v29 =	vld [tilespmem:s26+$0x60];
	v13 =	vmovc v20  }
0xbe: {  	v23 =	vadd.f32 v39, v23;
	v32 =	vadd.f32 v38, v22;
	v20 =	vbroadcast v34, $0x9  }
0xbf: {  	v37 =	vmul.f32 v43, v43;
	v25 =	vbroadcast v34, $0xE;
	v17 =	vadd.f32 v17, v16;
	v39 =	vld [tilespmem:s26+$0x70]  }
0xc0: {  	v50 =	vbroadcast v34, $0xA;
	v41 =	vmul.f32 v31, v31;
	v16 =	vadd.s32 s29, v0;
	v43 =	vld [tilespmem:s26+$0xB0]  }
.Ltmp1:
0xc1: {  	v23 =	vadd.f32 v46, v23;
	v42 =	vadd.f32 v35, v17;
	v35 =	vmul.f32 v21, v21;
	v47 =	vld [tilespmem:s26+$0x80];
	(pc) =	sbr.rel @p0 .LBB2_5-.Ltmp1, $4  }
0xc2: {  	v36 =	vbroadcast v34, $0xB;
	v17 =	vsub.f32 v37, v32;
	v22 =	vmul.f32 v29, v12;
	v45 =	vld [tilespmem:s26+$0xC0];
	v12 =	vmovc v20  }
0xc3: {  	v48 =	vadd.f32 v48, v23;
	v32 =	vbroadcast v34, $0xF;
	v37 =	vmul.f32 v18, v18;
	v46 =	vld [tilespmem:s26+$0x90]  }
0xc4: {  	v38 =	vbroadcast v34, $0xC;
	v20 =	vmov s24;
	s24 =	smov.u32 s23;
	s23 =	smov.u32 s30;
	v23 =	vmul.f32 v39, v14;
	v40 =	vld [tilespmem:s26+$0xA0];
	(xrf2) =	vadd.scan.msk.f32 $0xffff, v17;
	v14 =	vmovc v50;
	s26 =	smov.u32 s25  }
0xc5: {  	v44 =	vadd.f32 v44, v48;
	s29 =	sadd.s32 $0x1A, s29;
	v29 =	vadd.f32 v28, v49;
	v39 =	vmul.f32 v22, v22;
	v17 =	vld.idx.msk [tilespmem:v16+s11+$0x0], $0xffff  }
0xc6: {  	_ = 	snop  }
0xc7: {  	v48 =	vld [tilespmem:s25+$0xFFFFFF30];
	_ =	sdelay $0x1  }
0xc8: {  	v49 =	vmul.f32 v23, v23;
	v28 =	vmul.f32 v47, v8;
	v58 =	vld [tilespmem:s25+$0xFFFFFF40]  }
0xc9: {  	v59 =	vld [tilespmem:s25+$0xFFFFFF50];
	v7 =	vmul.f32 v43, v7;
	v50 =	vbroadcast v17, $0x0  }
0xca: {  	v8 =	vmul.f32 v45, v9;
	v9 =	vbroadcast v34, $0xD  }
0xcb: {  	v61 =	vld [tilespmem:s25+$0xFFFFFF60];
	v62 =	vbroadcast v17, $0x1;
	v60 =	vmul.f32 v48, v50  }
0xcc: {  	v10 =	vmul.f32 v46, v10;
	v51 =	vbroadcast v17, $0x2  }
0xcd: {  	v52 =	vld [tilespmem:s25+$0xFFFFFF70];
	v34 =	vmul.f32 v28, v28;
	v47 =	vmul.f32 v58, v62;
	v63 =	vadd.f32 $0.0e+00, v60  }
0xce: {  	v56 =	vbroadcast v17, $0x3;
	v45 =	vmul.f32 v59, v51  }
0xcf: {  	v57 =	vld [tilespmem:s25+$0xFFFFFF80];
	v46 =	vmul.f32 v60, v60;
	v43 =	vadd.f32 v47, v63;
	v47 =	vmul.f32 v47, v47  }
0xd0: {  	v48 =	vmul.f32 v61, v56;
	v58 =	vbroadcast v17, $0x4  }
0xd1: {  	v59 =	vmul.f32 v45, v45;
	v60 =	vld [tilespmem:s25+$0xFFFFFF90];
	v46 =	vadd.f32 v47, v46;
	v43 =	vadd.f32 v45, v43  }
0xd2: {  	v61 =	vbroadcast v17, $0x5;
	v50 =	vmul.f32 v52, v58  }
0xd3: {  	v62 =	vmul.f32 v48, v48;
	v63 =	vld [tilespmem:s25+$0xFFFFFFA0];
	v46 =	vadd.f32 v59, v46;
	v43 =	vadd.f32 v48, v43  }
0xd4: {  	v56 =	vbroadcast v17, $0x6;
	v51 =	vmul.f32 v57, v61  }
0xd5: {  	v58 =	vld [tilespmem:s25+$0xFFFFFFB0];
	v57 =	vmul.f32 v50, v50;
	v46 =	vadd.f32 v62, v46;
	v43 =	vadd.f32 v50, v43  }
0xd6: {  	v45 =	vmul.f32 v60, v56;
	v59 =	vbroadcast v17, $0x7  }
0xd7: {  	v61 =	vld [tilespmem:s25+$0xFFFFFFC0];
	v60 =	vmul.f32 v51, v51;
	v46 =	vadd.f32 v57, v46;
	v43 =	vadd.f32 v51, v43  }
0xd8: {  	v48 =	vmul.f32 v63, v59;
	v62 =	vbroadcast v17, $0x8  }
0xd9: {  	v56 =	vld [tilespmem:s25+$0xFFFFFFD0];
	v63 =	vmul.f32 v45, v45;
	v46 =	vadd.f32 v60, v46;
	v43 =	vadd.f32 v45, v43  }
0xda: {  	v50 =	vmul.f32 v58, v62;
	v57 =	vbroadcast v17, $0x9  }
0xdb: {  	v59 =	vld [tilespmem:s25+$0xFFFFFFE0];
	v58 =	vmul.f32 v48, v48;
	v46 =	vadd.f32 v63, v46;
	v43 =	vadd.f32 v48, v43  }
0xdc: {  	v51 =	vmul.f32 v61, v57;
	v60 =	vbroadcast v17, $0xA  }
0xdd: {  	v61 =	vmul.f32 v50, v50;
	v46 =	vadd.f32 v58, v46;
	v43 =	vadd.f32 v50, v43  }
0xde: {  	v33 =	vadd.f32 v33, v42;
	v54 =	vbroadcast v17, $0xB;
	v62 =	vld [tilespmem:s25+$0xFFFFFFF0];
	v63 =	vmul.f32 v56, v60  }
0xdf: {  	v55 =	vmul.f32 v51, v51;
	v56 =	vld [tilespmem:s25+$0x0];
	v46 =	vadd.f32 v61, v46;
	v43 =	vadd.f32 v51, v43  }
0xe0: {  	v30 =	vadd.f32 v30, v44;
	v57 =	vmul.f32 v59, v54;
	v58 =	vbroadcast v17, $0xC  }
0xe1: {  	v59 =	vld [tilespmem:s25+$0x10];
	v42 =	vmul.f32 v63, v63;
	v46 =	vadd.f32 v55, v46;
	v43 =	vadd.f32 v63, v43  }
0xe2: {  	v33 =	vadd.f32 v41, v33;
	v60 =	vbroadcast v17, $0xD;
	v48 =	vmul.f32 v57, v57  }
0xe3: {  	v45 =	vmul.f32 v62, v58;
	v42 =	vadd.f32 v42, v46;
	v43 =	vadd.f32 v57, v43  }
0xe4: {  	v26 =	vadd.f32 v26, v30;
	v61 =	vbroadcast v17, $0xE;
	v62 =	vld [tilespmem:s26+$0x20];
	v41 =	vmul.f32 v56, v60  }
0xe5: {  	v63 =	vmul.f32 v45, v45;
	v42 =	vadd.f32 v48, v42;
	v43 =	vadd.f32 v45, v43  }
0xe6: {  	v26 =	vadd.f32 v31, v26;
	v50 =	vbroadcast v17, $0xF;
	v30 =	vmul.f32 v59, v61  }
0xe7: {  	v54 =	vld [tilespmem:s26+$0x40];
	v51 =	vmul.f32 v41, v41;
	v42 =	vadd.f32 v63, v42;
	v41 =	vadd.f32 v41, v43  }
0xe8: {  	v5 =	vadd.f32 v5, v33;
	v4 =	vadd.f32 v4, v26;
	v53 =	vmul.f32 v30, v30  }
0xe9: {  	v33 =	vmul.f32 v62, v50;
	v42 =	vadd.f32 v51, v42;
	v30 =	vadd.f32 v30, v41  }
0xea: {  	v6 =	vmul.f32 v40, v6;
	v5 =	vadd.f32 v35, v5;
	v4 =	vadd.f32 v21, v4;
	v55 =	vld [tilespmem:s25+$0x50]  }
0xeb: {  	v56 =	vld [tilespmem:s26+$0x60];
	v57 =	vmul.f32 v33, v33;
	v31 =	vadd.f32 v53, v42;
	v30 =	vadd.f32 v33, v30  }
0xec: {  	v5 =	vadd.f32 v37, v5;
	v4 =	vadd.f32 v18, v4;
	v13 =	vmul.f32 v54, v13  }
0xed: {  	v52 =	vmul.f32 v10, v10;
	v59 =	vld [tilespmem:s26+$0x70];
	v31 =	vadd.f32 v57, v31;
	v24 =	vadd.f32 v24, v30  }
0xee: {  	v5 =	vadd.f32 v39, v5;
	v4 =	vadd.f32 v22, v4;
	v60 =	vmul.f32 v13, v13  }
0xef: {  	v61 =	vld [tilespmem:s26+$0x80];
	v15 =	vmul.f32 v55, v15;
	v27 =	vadd.f32 v27, v31;
	v13 =	vadd.f32 v13, v24  }
0xf0: {  	v5 =	vadd.f32 v49, v5;
	v4 =	vadd.f32 v23, v4;
	v12 =	vmul.f32 v56, v12  }
0xf1: {  	v62 =	vmul.f32 v15, v15;
	v18 =	vadd.f32 v60, v27;
	v13 =	vadd.f32 v15, v13  }
0xf2: {  	v5 =	vadd.f32 v34, v5;
	v4 =	vadd.f32 v28, v4;
	v14 =	vmul.f32 v59, v14;
	v63 =	vld [tilespmem:s26+$0x90]  }
0xf3: {  	v34 =	vld [tilespmem:s26+$0xA0];
	v31 =	vmul.f32 v12, v12;
	v18 =	vadd.f32 v62, v18;
	v12 =	vadd.f32 v12, v13  }
0xf4: {  	v39 =	vmul.f32 v8, v8;
	v4 =	vadd.f32 v10, v4;
	v22 =	vmul.f32 v61, v36  }
0xf5: {  	v37 =	vld [tilespmem:s26+$0xB0];
	v35 =	vmul.f32 v14, v14;
	v18 =	vadd.f32 v31, v18;
	v12 =	vadd.f32 v14, v12  }
0xf6: {  	v5 =	vadd.f32 v52, v5;
	v4 =	vadd.f32 v6, v4;
	v42 =	vmul.f32 v22, v22  }
0xf7: {  	v40 =	vmul.f32 v63, v38;
	v18 =	vadd.f32 v35, v18;
	v12 =	vadd.f32 v22, v12  }
0xf8: {  	v9 =	vmul.f32 v34, v9;
	v4 =	vadd.f32 v7, v4;
	v41 =	vld [tilespmem:s26+$0xC0];
	v30 =	vmul.f32 v6, v6  }
0xf9: {  	v44 =	vmul.f32 v40, v40;
	v45 =	vadd.f32 v42, v18;
	v10 =	vadd.f32 v40, v12  }
0xfa: {  	v58 =	vmul.f32 v7, v7;
	v46 =	vmul.f32 v37, v25;
	v5 =	vadd.f32 v30, v5  }
0xfb: {  	v47 =	vld.idx.msk [tilespmem:v16+s16+$0x0], $0xffff;
	v48 =	vmul.f32 v9, v9;
	v6 =	vadd.f32 v44, v45;
	v9 =	vadd.f32 v9, v10  }
0xfc: {  	v4 =	vadd.f32 v8, v4;
	v50 =	vmul.f32 v46, v46;
	v5 =	vadd.f32 v58, v5  }
0xfd: {  	v49 =	vmul.f32 v41, v32;
	v6 =	vadd.f32 v48, v6;
	v7 =	vadd.f32 v46, v9  }
0xfe: {  	v4 =	vmul.f32 v4, v4;
	v5 =	vadd.f32 v39, v5  }
0xff: {  	v51 =	vmul.f32 v49, v49;
	v7 =	vadd.f32 v49, v7;
	v6 =	vadd.f32 v50, v6  }
0x100: {  	v52 =	vmul.f32 v47, v17  }
0x101: {  	v4 =	vsub.f32 v4, v5;
	v53 =	vadd.f32 v51, v6;
	v54 =	vmul.f32 v7, v7  }
0x102: {  	(xrf2) =	vadd.scan.msk.f32 $0xffff, v29;
	v55 =	vadd.f32 v19, v52  }
0x103: {  	(xrf2) =	vadd.scan.msk.f32 $0xffff, v4;
	v56 =	vsub.f32 v54, v53  }
0x104: {  	(xrf2) =	vadd.scan.msk.f32 $0xffff, v55  }
0x105: {  	(xrf2) =	vadd.scan.msk.f32 $0xffff, v56;
	_ =	sdelay $0x5  }
0x106: {  	v57, _, _ =	vpop (xrf2)  }
0x107: {  	(v2sf) =	vpush v57, $0xF;
	v58, _, _ =	vpop (xrf2)  }
0x108: {  	(v2sf) =	vpush v11, $0xF;
	v59, _, _ =	vpop (xrf2)  }
0x109: {  	(v2sf) =	vpush v59, $0xF;
	v60, _, _ =	vpop (xrf2)  }
0x10a: {  	(v2sf) =	vpush v58, $0xF;
	v61, _, _ =	vpop (xrf2)  }
0x10b: {  	(v2sf) =	vpush v61, $0xF;
	_ =	sdelay $0x1  }
0x10c: {  	(v2sf) =	vpush v60, $0xF;
	_ =	sdelay $0x8  }
0x10d: {  	s1 =	spop (v2sf)  }
0x10e: {  	s31 =	spop (v2sf)  }
0x10f: {  	s30 =	spop (v2sf)  }
0x110: {  	s1 =	smul.f32 $5.000000000e-01, s1;
	s28 =	spop (v2sf)  }
0x111: {  	s26 =	smul.f32 $5.000000000e-01, s30;
	s29 =	spop (v2sf)  }
0x112: {  	s1 =	sadd.f32 s1, s31;
	s31 =	smul.f32 $5.000000000e-01, s29  }
0x113: {  	vm0 =	veq.s32 v20, v0;
	v62 =	vmov s24;
	s28 =	sadd.f32 s26, s28;
	s29 =	spop (v2sf)  }
0x114: {  	v63 =	vmov s23;
	vm14 =	veq.s32 v62, v0;
	v3 =	vsel vm0, s1, v3;
	s30 =	sadd.f32 s31, s29  }
0x115: {  	vm15 =	veq.s32 v63, v0;
	v3 =	vsel vm14, s28, v3  }
0x116: {  	v3 =	vsel vm15, s30, v3  }
0x117: {  	v3 =	vadd.f32 v3, v2;
	_ =	sdelay $0x1  }
0x118: {  	v3 =	vsub.f32 $0.0e+00, v3;
	_ =	sdelay $0x1  }
0x119: {  	v3 =	vmul.f32 $1.442695020e+00, v3;
	_ =	sdelay $0x1  }
0x11a: {  	(erf) = vpow2.f32 v3;
	_ =	sdelay $0x8  }
0x11b: {  	v3 =	vpop (erf)  }
0x11c: {  	v3 =	vadd.f32 $1.000000000e+00, v3;
	_ =	sdelay $0x1  }
0x11d: {  	(erf) = vrcp.f32 v3;
	_ =	sdelay $0x3  }
0x11e: {  	s31 =	sshll.u32 s22, $0x4;
	s22 =	sadd.s32 $0x1, s22  }
0x11f: {  	p0 =	sne.s32 s22, $0x8  }
.Ltmp2:
0x120: {  	_ = 	snop;
	(pc) =	sbr.rel @p0 .LBB2_4-.Ltmp2, $3  }
0x121: {  	_ =	sdelay $0x1  }
0x122: {  	s1 =	sand.u32 $0x3FFFFFF0, s31;
	v3 =	vpop (erf)  }
0x123: {  	s21 =	sadd.s32 $0x1A0, s21;
	s20 =	sadd.s32 $0x1A00, s20;
	[tilespmem:s1+$0xF710] =	vst v3  }
0x124: {  	s18 =	sadd.s32 $0x1, s18  }
0x125: {  	p0 =	sne.s32 s18, s9  }
.Ltmp3:
0x126: {  	_ = 	snop;
	(pc) =	sbr.rel @p0 .LBB2_1-.Ltmp3, $4  }
0x127: {  	[hbm4b:s8+s2] =	stream.linear.scatter [tilespmem:s17], [sflag:$0x3], $0x80, $0x38;
	[tilespmem:$0xF790] =	vst v63  }
0x128: {  	_ =	swait.ge [sflag:s10], $0x80  }
0x129: {  	[sflag:s10] =	ssyncset.done $0x0  }
0x12a: {  	[sflag:s10] =	ssyncadd.s32 $0xFFFFFF80  }
0x12b: {  	_ =	sfence.sel $0x180000  }
0x12c: {  	[bflag:$0x0] =	sbarrier.arrive $0xFFFF  }
0x12d: {  	_ =	strace $0x90000047  }
0x12e: {  	[bflag:$0x2] =	sbarrier.arrive $0xFFFF  }
0x12f: {  	p0 =	sne.s32 s0, $0x0;
	s0 =	rddreg [dreg:$0x2]  }
0x130: {  	s0 =	sadd.s32 @!p0 $0x100000, s0  }
0x131: {  	[sflag:s0] =	ssyncadd.tile.s32 @!p0 $0x1;
	_ =	shalt  }
.Lfunc_end2:
_tile_overlayer_lowered:
.L_overlay_start_2:
0x132: {  	(tag) =	ssettag $0x2  }
0x133: {  	s0 =	rddreg [dreg:$0x0];
	s2 =	stileid.u32  }
0x134: {  	s1 =	rddreg [dreg:$0x1];
	p0 =	sne.s32 s2, $0x0  }
0x135: {  	s3 =	rddreg [dreg:$0x2];
	[bflag:$0x3] =	sbarrier.arrive $0xFFFF;
	s2 =	simm.s32 @!p0 $0x1C03  }
0x136: {  	[timem:s3], [sflag:s2] =	dma.local @!p0 [hbm:s0], s1  }
0x137: {  	s0 =	simm.s32 @!p0 $0x3  }
0x138: {  	_ =	swait.ge @!p0 [sflag:s0], s1  }
0x139: {  	s1 =	ssub.s32 @!p0 $0x0, s1;
	[sflag:s0] =	ssyncset.done @!p0 $0x0  }
0x13a: {  	[sflag:s0] =	ssyncadd.s32 @!p0 s1  }
0x13b: {  	[bflag:$0x3] =	sbarrier.arrive $0xFFFF  }
0x13c: {  	_ =	shalt  }

</sc_bundles>
